<compile_context>
chip_gen: v7x
topology: tpu7x:2x2x1
jax: 0.10.2.dev20260603
libtpu: 0.0.44.dev20260713+nightly
codegen_flags: <defaults>
</compile_context>

<pallas_src>
import functools

import jax
import jax.numpy as jnp
from jax import lax
from jax.experimental import pallas as pl
from jax.experimental.pallas import tpu as pltpu
from jax.experimental.pallas import tpu_sc as plsc

_NC = 2
_NS = 16
_NW = _NC * _NS
_L = 16


def _rowsum_body(lo_ref, hi_ref, out_ref):
    ones = jnp.ones((1, lo_ref.shape[1]), jnp.float32)

    def sig_row(ref):
        r = jax.lax.dot_general(
            ones, ref[...], (((1,), (1,)), ((), ())),
            preferred_element_type=jnp.float32,
        )
        return jax.nn.sigmoid(r)

    lo = lax.convert_element_type(
        lax.bitcast_convert_type(
            lax.convert_element_type(sig_row(lo_ref), jnp.bfloat16),
            jnp.uint16),
        jnp.uint32)
    hi = lax.convert_element_type(
        lax.bitcast_convert_type(
            lax.convert_element_type(sig_row(hi_ref), jnp.bfloat16),
            jnp.uint16),
        jnp.uint32)
    packed = lax.bitcast_convert_type(lo | (hi << 16), jnp.float32)
    out_ref[...] = packed.reshape(out_ref.shape)


def _rowsum_sigmoid(emb_table, blk, v_pad):
    v, d = emb_table.shape
    half = v_pad // 2
    grid = half // blk
    return pl.pallas_call(
        _rowsum_body,
        grid=(grid,),
        in_specs=[
            pl.BlockSpec((blk, d), lambda i: (i, 0)),
            pl.BlockSpec((blk, d), lambda i, g=grid: (i + g, 0)),
        ],
        out_specs=pl.BlockSpec((blk,), lambda i: (i,)),
        out_shape=jax.ShapeDtypeStruct((half,), jnp.float32),
    )(emb_table, emb_table)


def _make_sc_gather(v_packed, rows, cols, chunk_rows):
    n_chunks = rows // chunk_rows
    mesh = plsc.VectorSubcoreMesh(core_axis_name="c", subcore_axis_name="s")
    band = 128
    celts = chunk_rows * band

    @functools.partial(
        pl.kernel,
        mesh=mesh,
        out_type=jax.ShapeDtypeStruct((rows, cols), jnp.float32),
        scratch_types=[
            pltpu.VMEM_SHARED((v_packed,), jnp.float32),
            pltpu.VMEM((v_packed,), jnp.float32),
            pltpu.VMEM((chunk_rows, band), jnp.int32),
            pltpu.VMEM((chunk_rows, band), jnp.int32),
            pltpu.VMEM((chunk_rows, band), jnp.float32),
            pltpu.VMEM((chunk_rows, band), jnp.float32),
            pltpu.SemaphoreType.DMA,
            pltpu.SemaphoreType.DMA,
            pltpu.SemaphoreType.DMA,
            pltpu.SemaphoreType.DMA,
            pltpu.SemaphoreType.DMA,
        ],
        compiler_params=pltpu.CompilerParams(needs_layout_passes=False),
    )
    def gather_kernel(s_hbm, idx_hbm, out_hbm, s_sh, s_v, idx_v0, idx_v1,
                      out_v0, out_v1, sem_s, sem_i0, sem_i1, sem_o0, sem_o1):
        sid = lax.axis_index("s")
        wid = sid * _NC + lax.axis_index("c")
        col0 = wid * band
        idx_bufs, out_bufs = [idx_v0, idx_v1], [out_v0, out_v1]
        isems, osems = [sem_i0, sem_i1], [sem_o0, sem_o1]
        icp, ocp = [None] * n_chunks, [None] * n_chunks

        def idx_start(c):
            h = pltpu.make_async_copy(
                idx_hbm.at[pl.ds(c * chunk_rows, chunk_rows),
                           pl.ds(col0, band)],
                idx_bufs[c % 2], isems[c % 2])
            h.start()
            icp[c] = h

        idx_start(0)

        @pl.when(sid == 0)
        def _():
            pltpu.sync_copy(s_hbm, s_sh)

        plsc.subcore_barrier()
        s_h = pltpu.make_async_copy(s_sh, s_v, sem_s)
        s_h.start()
        s_h.wait()

        for c in range(n_chunks):
            b = c % 2
            if c + 1 < n_chunks:
                idx_start(c + 1)
            icp[c].wait()
            if c >= 2:
                ocp[c - 2].wait()
            iv, ov = idx_bufs[b], out_bufs[b]

            @plsc.parallel_loop(0, celts, _L, unroll=8)
            def _(i):
                r = i // band
                sl = pl.ds(i % band, _L)
                idx = iv[r, sl]
                m = idx >= v_packed
                w = plsc.load_gather(s_v, [jnp.where(m, idx - v_packed, idx)])
                bits = plsc.bitcast(w, jnp.uint32)
                half16 = jnp.where(m, bits >> 16, bits & jnp.uint32(0xFFFF))
                ov[r, sl] = plsc.bitcast(half16 << 16, jnp.float32)

            h = pltpu.make_async_copy(
                ov,
                out_hbm.at[pl.ds(c * chunk_rows, chunk_rows),
                           pl.ds(col0, band)],
                osems[b])
            h.start()
            ocp[c] = h

        ocp[n_chunks - 2].wait()
        ocp[n_chunks - 1].wait()

    return gather_kernel


def kernel(idseq, length_list, emb_table):
    b, sl = idseq.shape
    v, _ = emb_table.shape
    v_pad = 102400
    s = _rowsum_sigmoid(emb_table, blk=5120, v_pad=v_pad)
    gather = _make_sc_gather(v_pad // 2, sl, b, chunk_rows=40)
    out_t = gather(s, idseq.T.astype(jnp.int32))
    return out_t.T

# --- scband reference (transcript-rebuilt; emitter-appended) ---
"""Pipeline reference for scband-lstm-divider-56994216018199 (READ-ONLY COPY).

The authoritative reference and input builder live on the scoring server;
editing this copy changes nothing except your own understanding.
"""

import jax, jax.numpy as jnp
import numpy as np

VOC_SIZE = 100000
W_DIMS = 128
BATCH = 4096
SENT_LEN = 200

def setup_inputs(seed: int = 0) -> dict:
    key = jax.random.key(seed)
    k_idx, k_len, k_emb = jax.random.split(key, 3)
    idseq = jax.random.randint(k_idx, (BATCH, SENT_LEN), 0, VOC_SIZE, dtype=jnp.int64 if jax.config.jax_enable_x64 else jnp.int32)
    length_list = jax.random.randint(k_len, (BATCH,), 0, SENT_LEN, dtype=jnp.int64 if jax.config.jax_enable_x64 else jnp.int32)
    emb_table = jax.random.normal(k_emb, (VOC_SIZE, W_DIMS), dtype=jnp.float32)
    return {"idseq": idseq, "length_list": length_list, "emb_table": emb_table}

def reference(idseq, length_list, emb_table):
    # emb = self.embdic(idseq) -> [B, L, w_dims]
    emb = jnp.take(emb_table, idseq, axis=0)
    # hidden_avg = emb.sum(dim=-1) -> [B, L]
    hidden_avg = emb.sum(axis=-1)
    # out = torch.sigmoid(hidden_avg)
    out = jax.nn.sigmoid(hidden_avg)
    return out

if __name__ == "__main__":
    import jax
    _d = setup_inputs()
    print(jax.jit(kernel)(*tuple(_d.values())))

</pallas_src>

<mosaic_0001>
#map = affine_map<(d0, d1) -> (0)>
#map1 = affine_map<(d0, d1) -> (0, 0)>
module attributes {stable_mosaic.version = 14 : i64} {
  func.func @gather_kernel(%arg0: i32, %arg1: i32, %arg2: memref<51200xf32, #tpu.memory_space<hbm>>, %arg3: memref<200x4096xi32, #tpu.memory_space<hbm>>, %arg4: memref<200x4096xf32, #tpu.memory_space<hbm>>, %arg5: memref<51200xf32, #tpu.memory_space<vmem_shared>>, %arg6: memref<51200xf32, #tpu.memory_space<vmem>>, %arg7: memref<40x128xi32, #tpu.memory_space<vmem>>, %arg8: memref<40x128xi32, #tpu.memory_space<vmem>>, %arg9: memref<40x128xf32, #tpu.memory_space<vmem>>, %arg10: memref<40x128xf32, #tpu.memory_space<vmem>>, %arg11: memref<!tpu.dma_semaphore, #tpu.memory_space<semaphore_mem>>, %arg12: memref<!tpu.dma_semaphore, #tpu.memory_space<semaphore_mem>>, %arg13: memref<!tpu.dma_semaphore, #tpu.memory_space<semaphore_mem>>, %arg14: memref<!tpu.dma_semaphore, #tpu.memory_space<semaphore_mem>>, %arg15: memref<!tpu.dma_semaphore, #tpu.memory_space<semaphore_mem>>) attributes {dimension_semantics = [#tpu.dimension_semantics<core_parallel>, #tpu.dimension_semantics<subcore_parallel>], iteration_bounds = array<i64: 2, 16>, scalar_prefetch = 0 : i64, scratch_operands = 11 : i64, tpu.core_type = #tpu.core_type<sc_vector_subcore>, window_params = [{transform_indices = #map}, {transform_indices = #map1}, {transform_indices = #map1}]} {
    %mul3A = arith.constant 2 : i32
    %mul3A_0 = arith.muli %arg1, %mul3A : i32
    %add3A = arith.addi %mul3A_0, %arg0 : i32
    %mul3A_1 = arith.constant 128 : i32
    %mul3A_2 = arith.muli %add3A, %mul3A_1 : i32
    %dma_start3A = arith.constant 0 : i32
    %dma_start3A_3 = tpu.memref_slice %arg3[%dma_start3A, %mul3A_2] : memref<200x4096xi32, #tpu.memory_space<hbm>> -> memref<40x128xi32, #tpu.memory_space<hbm>>
    %dma_start3A_4 = arith.constant 0 : i32
    %dma_start3A_5 = tpu.memref_slice %arg3[%dma_start3A_4, %mul3A_2] : memref<200x4096xi32, #tpu.memory_space<hbm>> -> memref<40x128xi32, #tpu.memory_space<hbm>>
    tpu.enqueue_dma source(%dma_start3A_5 : memref<40x128xi32, #tpu.memory_space<hbm>>) target(%arg7 : memref<40x128xi32, #tpu.memory_space<vmem>>) target_semaphore(%arg12 : memref<!tpu.dma_semaphore, #tpu.memory_space<semaphore_mem>>)
    %eq3A = arith.constant 0 : i32
    %eq3A_6 = arith.cmpi eq, %arg1, %eq3A : i32
    %convert_element_type3A = arith.extui %eq3A_6 : i1 to i32
    %cond3A = arith.constant 0 : i32
    %cond3A_7 = arith.cmpi ne, %convert_element_type3A, %cond3A : i32
    scf.if %cond3A_7 {
      "tpu.region"() ({
        %run_scoped3A = tpu.sem_alloc : memref<!tpu.dma_semaphore, #tpu.memory_space<semaphore_mem>>
        tpu.enqueue_dma source(%arg2 : memref<51200xf32, #tpu.memory_space<hbm>>) target(%arg5 : memref<51200xf32, #tpu.memory_space<vmem_shared>>) target_semaphore(%run_scoped3A : memref<!tpu.dma_semaphore, #tpu.memory_space<semaphore_mem>>)
        tpu.wait_dma2 semaphore(%run_scoped3A : memref<!tpu.dma_semaphore, #tpu.memory_space<semaphore_mem>>) src(%arg2 : memref<51200xf32, #tpu.memory_space<hbm>>) dst(%arg5 : memref<51200xf32, #tpu.memory_space<vmem_shared>>)
        tpu.yield
      }) : () -> ()
    } else {
    }
    %barrier3A = arith.constant 0 : index
    tpu.barrier barrier_id(%barrier3A)
    tpu.enqueue_dma source(%arg5 : memref<51200xf32, #tpu.memory_space<vmem_shared>>) target(%arg6 : memref<51200xf32, #tpu.memory_space<vmem>>) target_semaphore(%arg11 : memref<!tpu.dma_semaphore, #tpu.memory_space<semaphore_mem>>)
    tpu.wait_dma2 semaphore(%arg11 : memref<!tpu.dma_semaphore, #tpu.memory_space<semaphore_mem>>) src(%arg5 : memref<51200xf32, #tpu.memory_space<vmem_shared>>) dst(%arg6 : memref<51200xf32, #tpu.memory_space<vmem>>)
    %dma_start3A_8 = arith.constant 40 : i32
    %dma_start3A_9 = tpu.memref_slice %arg3[%dma_start3A_8, %mul3A_2] : memref<200x4096xi32, #tpu.memory_space<hbm>> -> memref<40x128xi32, #tpu.memory_space<hbm>>
    %dma_start3A_10 = arith.constant 40 : i32
    %dma_start3A_11 = tpu.memref_slice %arg3[%dma_start3A_10, %mul3A_2] : memref<200x4096xi32, #tpu.memory_space<hbm>> -> memref<40x128xi32, #tpu.memory_space<hbm>>
    tpu.enqueue_dma source(%dma_start3A_11 : memref<40x128xi32, #tpu.memory_space<hbm>>) target(%arg8 : memref<40x128xi32, #tpu.memory_space<vmem>>) target_semaphore(%arg13 : memref<!tpu.dma_semaphore, #tpu.memory_space<semaphore_mem>>)
    %dma_wait3A = arith.constant 0 : i32
    %dma_wait3A_12 = tpu.memref_slice %arg3[%dma_wait3A, %mul3A_2] : memref<200x4096xi32, #tpu.memory_space<hbm>> -> memref<40x128xi32, #tpu.memory_space<hbm>>
    %dma_wait3A_13 = arith.constant 0 : i32
    %dma_wait3A_14 = tpu.memref_slice %arg3[%dma_wait3A_13, %mul3A_2] : memref<200x4096xi32, #tpu.memory_space<hbm>> -> memref<40x128xi32, #tpu.memory_space<hbm>>
    tpu.wait_dma2 semaphore(%arg12 : memref<!tpu.dma_semaphore, #tpu.memory_space<semaphore_mem>>) src(%dma_wait3A_14 : memref<40x128xi32, #tpu.memory_space<hbm>>) dst(%arg7 : memref<40x128xi32, #tpu.memory_space<vmem>>)
    %parallel_loop3A = arith.constant 0 : i32
    %parallel_loop3A_15 = arith.constant 5120 : i32
    %parallel_loop3A_16 = arith.constant 16 : i32
    scf.for %parallel_loop3A_97 = %parallel_loop3A to %parallel_loop3A_15 step %parallel_loop3A_16  : i32 {
      %parallel_loop3A_98 = arith.constant 128 : i32
      %parallel_loop3A_99 = arith.divsi %parallel_loop3A_97, %parallel_loop3A_98 : i32
      %parallel_loop3A_100 = arith.constant 0 : i32
      %parallel_loop3A_101 = arith.cmpi sgt, %parallel_loop3A_97, %parallel_loop3A_100 : i32
      %parallel_loop3A_102 = arith.extui %parallel_loop3A_101 : i1 to i32
      %parallel_loop3A_103 = arith.constant 0 : i32
      %parallel_loop3A_104 = arith.cmpi slt, %parallel_loop3A_97, %parallel_loop3A_103 : i32
      %parallel_loop3A_105 = arith.extui %parallel_loop3A_104 : i1 to i32
      %parallel_loop3A_106 = arith.subi %parallel_loop3A_102, %parallel_loop3A_105 : i32
      %parallel_loop3A_107 = arith.constant 0 : i32
      %parallel_loop3A_108 = arith.cmpi sgt, %parallel_loop3A_98, %parallel_loop3A_107 : i32
      %parallel_loop3A_109 = arith.extui %parallel_loop3A_108 : i1 to i32
      %parallel_loop3A_110 = arith.constant 0 : i32
      %parallel_loop3A_111 = arith.cmpi slt, %parallel_loop3A_98, %parallel_loop3A_110 : i32
      %parallel_loop3A_112 = arith.extui %parallel_loop3A_111 : i1 to i32
      %parallel_loop3A_113 = arith.subi %parallel_loop3A_109, %parallel_loop3A_112 : i32
      %parallel_loop3A_114 = arith.cmpi ne, %parallel_loop3A_106, %parallel_loop3A_113 : i32
      %parallel_loop3A_115 = arith.remsi %parallel_loop3A_97, %parallel_loop3A_98 : i32
      %parallel_loop3A_116 = arith.constant 0 : i32
      %parallel_loop3A_117 = arith.cmpi ne, %parallel_loop3A_115, %parallel_loop3A_116 : i32
      %parallel_loop3A_118 = arith.andi %parallel_loop3A_114, %parallel_loop3A_117 : i1
      %parallel_loop3A_119 = arith.constant 1 : i32
      %parallel_loop3A_120 = arith.subi %parallel_loop3A_99, %parallel_loop3A_119 : i32
      %parallel_loop3A_121 = arith.select %parallel_loop3A_118, %parallel_loop3A_120, %parallel_loop3A_99 : i32
      %parallel_loop3A_122 = arith.constant 128 : i32
      %parallel_loop3A_123 = arith.constant 0 : i32
      %parallel_loop3A_124 = arith.cmpi eq, %parallel_loop3A_122, %parallel_loop3A_123 : i32
      %parallel_loop3A_125 = arith.constant 1 : i32
      %parallel_loop3A_126 = arith.select %parallel_loop3A_124, %parallel_loop3A_125, %parallel_loop3A_122 : i32
      %parallel_loop3A_127 = arith.remsi %parallel_loop3A_97, %parallel_loop3A_126 : i32
      %parallel_loop3A_128 = arith.constant 0 : i32
      %parallel_loop3A_129 = arith.cmpi ne, %parallel_loop3A_127, %parallel_loop3A_128 : i32
      %parallel_loop3A_130 = arith.constant 0 : i32
      %parallel_loop3A_131 = arith.cmpi slt, %parallel_loop3A_127, %parallel_loop3A_130 : i32
      %parallel_loop3A_132 = arith.constant 0 : i32
      %parallel_loop3A_133 = arith.cmpi slt, %parallel_loop3A_126, %parallel_loop3A_132 : i32
      %parallel_loop3A_134 = arith.xori %parallel_loop3A_131, %parallel_loop3A_133 : i1
      %parallel_loop3A_135 = arith.andi %parallel_loop3A_134, %parallel_loop3A_129 : i1
      %parallel_loop3A_136 = arith.addi %parallel_loop3A_127, %parallel_loop3A_126 : i32
      %parallel_loop3A_137 = arith.select %parallel_loop3A_135, %parallel_loop3A_136, %parallel_loop3A_127 : i32
      %parallel_loop3A_138 = arith.index_cast %parallel_loop3A_121 : i32 to index
      %parallel_loop3A_139 = arith.index_cast %parallel_loop3A_137 : i32 to index
      %parallel_loop3A_140 = tpu.vector_load %arg7[%parallel_loop3A_138, %parallel_loop3A_139] {strides = array<i32>} : memref<40x128xi32, #tpu.memory_space<vmem>>, vector<16xi32>,
      %parallel_loop3A_141 = arith.constant 51200 : i32
      %parallel_loop3A_142 = vector.broadcast %parallel_loop3A_141 : i32 to vector<16xi32>
      %parallel_loop3A_143 = arith.cmpi sge, %parallel_loop3A_140, %parallel_loop3A_142 : vector<16xi32>
      %parallel_loop3A_144 = arith.constant 51200 : i32
      %parallel_loop3A_145 = vector.broadcast %parallel_loop3A_144 : i32 to vector<16xi32>
      %parallel_loop3A_146 = arith.subi %parallel_loop3A_140, %parallel_loop3A_145 : vector<16xi32>
      %parallel_loop3A_147 = arith.select %parallel_loop3A_143, %parallel_loop3A_146, %parallel_loop3A_140 : vector<16xi1>, vector<16xi32>
      %parallel_loop3A_148 = tpu.vector_load_idx %arg6[%parallel_loop3A_147] : memref<51200xf32, #tpu.memory_space<vmem>>[vector<16xi32>], vector<16xf32>,
      %parallel_loop3A_149 = vector.bitcast %parallel_loop3A_148 : vector<16xf32> to vector<16xi32>
      %parallel_loop3A_150 = arith.constant 16 : i32
      %parallel_loop3A_151 = vector.broadcast %parallel_loop3A_150 : i32 to vector<16xi32>
      %parallel_loop3A_152 = arith.shrui %parallel_loop3A_149, %parallel_loop3A_151 : vector<16xi32>
      %parallel_loop3A_153 = arith.constant 65535 : i32
      %parallel_loop3A_154 = vector.broadcast %parallel_loop3A_153 : i32 to vector<16xi32>
      %parallel_loop3A_155 = arith.andi %parallel_loop3A_149, %parallel_loop3A_154 : vector<16xi32>
      %parallel_loop3A_156 = arith.select %parallel_loop3A_143, %parallel_loop3A_152, %parallel_loop3A_155 : vector<16xi1>, vector<16xi32>
      %parallel_loop3A_157 = arith.constant 16 : i32
      %parallel_loop3A_158 = vector.broadcast %parallel_loop3A_157 : i32 to vector<16xi32>
      %parallel_loop3A_159 = arith.shli %parallel_loop3A_156, %parallel_loop3A_158 : vector<16xi32>
      %parallel_loop3A_160 = vector.bitcast %parallel_loop3A_159 : vector<16xi32> to vector<16xf32>
      %parallel_loop3A_161 = arith.index_cast %parallel_loop3A_121 : i32 to index
      %parallel_loop3A_162 = arith.index_cast %parallel_loop3A_137 : i32 to index
      %parallel_loop3A_163 = tpu.vector_load %arg9[%parallel_loop3A_161, %parallel_loop3A_162] {strides = array<i32>} : memref<40x128xf32, #tpu.memory_space<vmem>>, vector<16xf32>,
      tpu.vector_store %arg9[%parallel_loop3A_161, %parallel_loop3A_162], %parallel_loop3A_160 {strides = array<i32>} : memref<40x128xf32, #tpu.memory_space<vmem>>, vector<16xf32>,
    } {sc.loop_unroll_factor = 8 : i64, sc.parallel_access}
    %dma_start3A_17 = arith.constant 0 : i32
    %dma_start3A_18 = tpu.memref_slice %arg4[%dma_start3A_17, %mul3A_2] : memref<200x4096xf32, #tpu.memory_space<hbm>> -> memref<40x128xf32, #tpu.memory_space<hbm>>
    %dma_start3A_19 = arith.constant 0 : i32
    %dma_start3A_20 = tpu.memref_slice %arg4[%dma_start3A_19, %mul3A_2] : memref<200x4096xf32, #tpu.memory_space<hbm>> -> memref<40x128xf32, #tpu.memory_space<hbm>>
    tpu.enqueue_dma source(%arg9 : memref<40x128xf32, #tpu.memory_space<vmem>>) target(%dma_start3A_20 : memref<40x128xf32, #tpu.memory_space<hbm>>) target_semaphore(%arg14 : memref<!tpu.dma_semaphore, #tpu.memory_space<semaphore_mem>>)
    %dma_start3A_21 = arith.constant 80 : i32
    %dma_start3A_22 = tpu.memref_slice %arg3[%dma_start3A_21, %mul3A_2] : memref<200x4096xi32, #tpu.memory_space<hbm>> -> memref<40x128xi32, #tpu.memory_space<hbm>>
    %dma_start3A_23 = arith.constant 80 : i32
    %dma_start3A_24 = tpu.memref_slice %arg3[%dma_start3A_23, %mul3A_2] : memref<200x4096xi32, #tpu.memory_space<hbm>> -> memref<40x128xi32, #tpu.memory_space<hbm>>
    tpu.enqueue_dma source(%dma_start3A_24 : memref<40x128xi32, #tpu.memory_space<hbm>>) target(%arg7 : memref<40x128xi32, #tpu.memory_space<vmem>>) target_semaphore(%arg12 : memref<!tpu.dma_semaphore, #tpu.memory_space<semaphore_mem>>)
    %dma_wait3A_25 = arith.constant 40 : i32
    %dma_wait3A_26 = tpu.memref_slice %arg3[%dma_wait3A_25, %mul3A_2] : memref<200x4096xi32, #tpu.memory_space<hbm>> -> memref<40x128xi32, #tpu.memory_space<hbm>>
    %dma_wait3A_27 = arith.constant 40 : i32
    %dma_wait3A_28 = tpu.memref_slice %arg3[%dma_wait3A_27, %mul3A_2] : memref<200x4096xi32, #tpu.memory_space<hbm>> -> memref<40x128xi32, #tpu.memory_space<hbm>>
    tpu.wait_dma2 semaphore(%arg13 : memref<!tpu.dma_semaphore, #tpu.memory_space<semaphore_mem>>) src(%dma_wait3A_28 : memref<40x128xi32, #tpu.memory_space<hbm>>) dst(%arg8 : memref<40x128xi32, #tpu.memory_space<vmem>>)
    %parallel_loop3A_29 = arith.constant 0 : i32
    %parallel_loop3A_30 = arith.constant 5120 : i32
    %parallel_loop3A_31 = arith.constant 16 : i32
    scf.for %parallel_loop3A_97 = %parallel_loop3A_29 to %parallel_loop3A_30 step %parallel_loop3A_31  : i32 {
      %parallel_loop3A_98 = arith.constant 128 : i32
      %parallel_loop3A_99 = arith.divsi %parallel_loop3A_97, %parallel_loop3A_98 : i32
      %parallel_loop3A_100 = arith.constant 0 : i32
      %parallel_loop3A_101 = arith.cmpi sgt, %parallel_loop3A_97, %parallel_loop3A_100 : i32
      %parallel_loop3A_102 = arith.extui %parallel_loop3A_101 : i1 to i32
      %parallel_loop3A_103 = arith.constant 0 : i32
      %parallel_loop3A_104 = arith.cmpi slt, %parallel_loop3A_97, %parallel_loop3A_103 : i32
      %parallel_loop3A_105 = arith.extui %parallel_loop3A_104 : i1 to i32
      %parallel_loop3A_106 = arith.subi %parallel_loop3A_102, %parallel_loop3A_105 : i32
      %parallel_loop3A_107 = arith.constant 0 : i32
      %parallel_loop3A_108 = arith.cmpi sgt, %parallel_loop3A_98, %parallel_loop3A_107 : i32
      %parallel_loop3A_109 = arith.extui %parallel_loop3A_108 : i1 to i32
      %parallel_loop3A_110 = arith.constant 0 : i32
      %parallel_loop3A_111 = arith.cmpi slt, %parallel_loop3A_98, %parallel_loop3A_110 : i32
      %parallel_loop3A_112 = arith.extui %parallel_loop3A_111 : i1 to i32
      %parallel_loop3A_113 = arith.subi %parallel_loop3A_109, %parallel_loop3A_112 : i32
      %parallel_loop3A_114 = arith.cmpi ne, %parallel_loop3A_106, %parallel_loop3A_113 : i32
      %parallel_loop3A_115 = arith.remsi %parallel_loop3A_97, %parallel_loop3A_98 : i32
      %parallel_loop3A_116 = arith.constant 0 : i32
      %parallel_loop3A_117 = arith.cmpi ne, %parallel_loop3A_115, %parallel_loop3A_116 : i32
      %parallel_loop3A_118 = arith.andi %parallel_loop3A_114, %parallel_loop3A_117 : i1
      %parallel_loop3A_119 = arith.constant 1 : i32
      %parallel_loop3A_120 = arith.subi %parallel_loop3A_99, %parallel_loop3A_119 : i32
      %parallel_loop3A_121 = arith.select %parallel_loop3A_118, %parallel_loop3A_120, %parallel_loop3A_99 : i32
      %parallel_loop3A_122 = arith.constant 128 : i32
      %parallel_loop3A_123 = arith.constant 0 : i32
      %parallel_loop3A_124 = arith.cmpi eq, %parallel_loop3A_122, %parallel_loop3A_123 : i32
      %parallel_loop3A_125 = arith.constant 1 : i32
      %parallel_loop3A_126 = arith.select %parallel_loop3A_124, %parallel_loop3A_125, %parallel_loop3A_122 : i32
      %parallel_loop3A_127 = arith.remsi %parallel_loop3A_97, %parallel_loop3A_126 : i32
      %parallel_loop3A_128 = arith.constant 0 : i32
      %parallel_loop3A_129 = arith.cmpi ne, %parallel_loop3A_127, %parallel_loop3A_128 : i32
      %parallel_loop3A_130 = arith.constant 0 : i32
      %parallel_loop3A_131 = arith.cmpi slt, %parallel_loop3A_127, %parallel_loop3A_130 : i32
      %parallel_loop3A_132 = arith.constant 0 : i32
      %parallel_loop3A_133 = arith.cmpi slt, %parallel_loop3A_126, %parallel_loop3A_132 : i32
      %parallel_loop3A_134 = arith.xori %parallel_loop3A_131, %parallel_loop3A_133 : i1
      %parallel_loop3A_135 = arith.andi %parallel_loop3A_134, %parallel_loop3A_129 : i1
      %parallel_loop3A_136 = arith.addi %parallel_loop3A_127, %parallel_loop3A_126 : i32
      %parallel_loop3A_137 = arith.select %parallel_loop3A_135, %parallel_loop3A_136, %parallel_loop3A_127 : i32
      %parallel_loop3A_138 = arith.index_cast %parallel_loop3A_121 : i32 to index
      %parallel_loop3A_139 = arith.index_cast %parallel_loop3A_137 : i32 to index
      %parallel_loop3A_140 = tpu.vector_load %arg8[%parallel_loop3A_138, %parallel_loop3A_139] {strides = array<i32>} : memref<40x128xi32, #tpu.memory_space<vmem>>, vector<16xi32>,
      %parallel_loop3A_141 = arith.constant 51200 : i32
      %parallel_loop3A_142 = vector.broadcast %parallel_loop3A_141 : i32 to vector<16xi32>
      %parallel_loop3A_143 = arith.cmpi sge, %parallel_loop3A_140, %parallel_loop3A_142 : vector<16xi32>
      %parallel_loop3A_144 = arith.constant 51200 : i32
      %parallel_loop3A_145 = vector.broadcast %parallel_loop3A_144 : i32 to vector<16xi32>
      %parallel_loop3A_146 = arith.subi %parallel_loop3A_140, %parallel_loop3A_145 : vector<16xi32>
      %parallel_loop3A_147 = arith.select %parallel_loop3A_143, %parallel_loop3A_146, %parallel_loop3A_140 : vector<16xi1>, vector<16xi32>
      %parallel_loop3A_148 = tpu.vector_load_idx %arg6[%parallel_loop3A_147] : memref<51200xf32, #tpu.memory_space<vmem>>[vector<16xi32>], vector<16xf32>,
      %parallel_loop3A_149 = vector.bitcast %parallel_loop3A_148 : vector<16xf32> to vector<16xi32>
      %parallel_loop3A_150 = arith.constant 16 : i32
      %parallel_loop3A_151 = vector.broadcast %parallel_loop3A_150 : i32 to vector<16xi32>
      %parallel_loop3A_152 = arith.shrui %parallel_loop3A_149, %parallel_loop3A_151 : vector<16xi32>
      %parallel_loop3A_153 = arith.constant 65535 : i32
      %parallel_loop3A_154 = vector.broadcast %parallel_loop3A_153 : i32 to vector<16xi32>
      %parallel_loop3A_155 = arith.andi %parallel_loop3A_149, %parallel_loop3A_154 : vector<16xi32>
      %parallel_loop3A_156 = arith.select %parallel_loop3A_143, %parallel_loop3A_152, %parallel_loop3A_155 : vector<16xi1>, vector<16xi32>
      %parallel_loop3A_157 = arith.constant 16 : i32
      %parallel_loop3A_158 = vector.broadcast %parallel_loop3A_157 : i32 to vector<16xi32>
      %parallel_loop3A_159 = arith.shli %parallel_loop3A_156, %parallel_loop3A_158 : vector<16xi32>
      %parallel_loop3A_160 = vector.bitcast %parallel_loop3A_159 : vector<16xi32> to vector<16xf32>
      %parallel_loop3A_161 = arith.index_cast %parallel_loop3A_121 : i32 to index
      %parallel_loop3A_162 = arith.index_cast %parallel_loop3A_137 : i32 to index
      %parallel_loop3A_163 = tpu.vector_load %arg10[%parallel_loop3A_161, %parallel_loop3A_162] {strides = array<i32>} : memref<40x128xf32, #tpu.memory_space<vmem>>, vector<16xf32>,
      tpu.vector_store %arg10[%parallel_loop3A_161, %parallel_loop3A_162], %parallel_loop3A_160 {strides = array<i32>} : memref<40x128xf32, #tpu.memory_space<vmem>>, vector<16xf32>,
    } {sc.loop_unroll_factor = 8 : i64, sc.parallel_access}
    %dma_start3A_32 = arith.constant 40 : i32
    %dma_start3A_33 = tpu.memref_slice %arg4[%dma_start3A_32, %mul3A_2] : memref<200x4096xf32, #tpu.memory_space<hbm>> -> memref<40x128xf32, #tpu.memory_space<hbm>>
    %dma_start3A_34 = arith.constant 40 : i32
    %dma_start3A_35 = tpu.memref_slice %arg4[%dma_start3A_34, %mul3A_2] : memref<200x4096xf32, #tpu.memory_space<hbm>> -> memref<40x128xf32, #tpu.memory_space<hbm>>
    tpu.enqueue_dma source(%arg10 : memref<40x128xf32, #tpu.memory_space<vmem>>) target(%dma_start3A_35 : memref<40x128xf32, #tpu.memory_space<hbm>>) target_semaphore(%arg15 : memref<!tpu.dma_semaphore, #tpu.memory_space<semaphore_mem>>)
    %dma_start3A_36 = arith.constant 120 : i32
    %dma_start3A_37 = tpu.memref_slice %arg3[%dma_start3A_36, %mul3A_2] : memref<200x4096xi32, #tpu.memory_space<hbm>> -> memref<40x128xi32, #tpu.memory_space<hbm>>
    %dma_start3A_38 = arith.constant 120 : i32
    %dma_start3A_39 = tpu.memref_slice %arg3[%dma_start3A_38, %mul3A_2] : memref<200x4096xi32, #tpu.memory_space<hbm>> -> memref<40x128xi32, #tpu.memory_space<hbm>>
    tpu.enqueue_dma source(%dma_start3A_39 : memref<40x128xi32, #tpu.memory_space<hbm>>) target(%arg8 : memref<40x128xi32, #tpu.memory_space<vmem>>) target_semaphore(%arg13 : memref<!tpu.dma_semaphore, #tpu.memory_space<semaphore_mem>>)
    %dma_wait3A_40 = arith.constant 80 : i32
    %dma_wait3A_41 = tpu.memref_slice %arg3[%dma_wait3A_40, %mul3A_2] : memref<200x4096xi32, #tpu.memory_space<hbm>> -> memref<40x128xi32, #tpu.memory_space<hbm>>
    %dma_wait3A_42 = arith.constant 80 : i32
    %dma_wait3A_43 = tpu.memref_slice %arg3[%dma_wait3A_42, %mul3A_2] : memref<200x4096xi32, #tpu.memory_space<hbm>> -> memref<40x128xi32, #tpu.memory_space<hbm>>
    tpu.wait_dma2 semaphore(%arg12 : memref<!tpu.dma_semaphore, #tpu.memory_space<semaphore_mem>>) src(%dma_wait3A_43 : memref<40x128xi32, #tpu.memory_space<hbm>>) dst(%arg7 : memref<40x128xi32, #tpu.memory_space<vmem>>)
    %dma_wait3A_44 = arith.constant 0 : i32
    %dma_wait3A_45 = tpu.memref_slice %arg4[%dma_wait3A_44, %mul3A_2] : memref<200x4096xf32, #tpu.memory_space<hbm>> -> memref<40x128xf32, #tpu.memory_space<hbm>>
    %dma_wait3A_46 = arith.constant 0 : i32
    %dma_wait3A_47 = tpu.memref_slice %arg4[%dma_wait3A_46, %mul3A_2] : memref<200x4096xf32, #tpu.memory_space<hbm>> -> memref<40x128xf32, #tpu.memory_space<hbm>>
    tpu.wait_dma2 semaphore(%arg14 : memref<!tpu.dma_semaphore, #tpu.memory_space<semaphore_mem>>) src(%arg9 : memref<40x128xf32, #tpu.memory_space<vmem>>) dst(%dma_wait3A_47 : memref<40x128xf32, #tpu.memory_space<hbm>>)
    %parallel_loop3A_48 = arith.constant 0 : i32
    %parallel_loop3A_49 = arith.constant 5120 : i32
    %parallel_loop3A_50 = arith.constant 16 : i32
    scf.for %parallel_loop3A_97 = %parallel_loop3A_48 to %parallel_loop3A_49 step %parallel_loop3A_50  : i32 {
      %parallel_loop3A_98 = arith.constant 128 : i32
      %parallel_loop3A_99 = arith.divsi %parallel_loop3A_97, %parallel_loop3A_98 : i32
      %parallel_loop3A_100 = arith.constant 0 : i32
      %parallel_loop3A_101 = arith.cmpi sgt, %parallel_loop3A_97, %parallel_loop3A_100 : i32
      %parallel_loop3A_102 = arith.extui %parallel_loop3A_101 : i1 to i32
      %parallel_loop3A_103 = arith.constant 0 : i32
      %parallel_loop3A_104 = arith.cmpi slt, %parallel_loop3A_97, %parallel_loop3A_103 : i32
      %parallel_loop3A_105 = arith.extui %parallel_loop3A_104 : i1 to i32
      %parallel_loop3A_106 = arith.subi %parallel_loop3A_102, %parallel_loop3A_105 : i32
      %parallel_loop3A_107 = arith.constant 0 : i32
      %parallel_loop3A_108 = arith.cmpi sgt, %parallel_loop3A_98, %parallel_loop3A_107 : i32
      %parallel_loop3A_109 = arith.extui %parallel_loop3A_108 : i1 to i32
      %parallel_loop3A_110 = arith.constant 0 : i32
      %parallel_loop3A_111 = arith.cmpi slt, %parallel_loop3A_98, %parallel_loop3A_110 : i32
      %parallel_loop3A_112 = arith.extui %parallel_loop3A_111 : i1 to i32
      %parallel_loop3A_113 = arith.subi %parallel_loop3A_109, %parallel_loop3A_112 : i32
      %parallel_loop3A_114 = arith.cmpi ne, %parallel_loop3A_106, %parallel_loop3A_113 : i32
      %parallel_loop3A_115 = arith.remsi %parallel_loop3A_97, %parallel_loop3A_98 : i32
      %parallel_loop3A_116 = arith.constant 0 : i32
      %parallel_loop3A_117 = arith.cmpi ne, %parallel_loop3A_115, %parallel_loop3A_116 : i32
      %parallel_loop3A_118 = arith.andi %parallel_loop3A_114, %parallel_loop3A_117 : i1
      %parallel_loop3A_119 = arith.constant 1 : i32
      %parallel_loop3A_120 = arith.subi %parallel_loop3A_99, %parallel_loop3A_119 : i32
      %parallel_loop3A_121 = arith.select %parallel_loop3A_118, %parallel_loop3A_120, %parallel_loop3A_99 : i32
      %parallel_loop3A_122 = arith.constant 128 : i32
      %parallel_loop3A_123 = arith.constant 0 : i32
      %parallel_loop3A_124 = arith.cmpi eq, %parallel_loop3A_122, %parallel_loop3A_123 : i32
      %parallel_loop3A_125 = arith.constant 1 : i32
      %parallel_loop3A_126 = arith.select %parallel_loop3A_124, %parallel_loop3A_125, %parallel_loop3A_122 : i32
      %parallel_loop3A_127 = arith.remsi %parallel_loop3A_97, %parallel_loop3A_126 : i32
      %parallel_loop3A_128 = arith.constant 0 : i32
      %parallel_loop3A_129 = arith.cmpi ne, %parallel_loop3A_127, %parallel_loop3A_128 : i32
      %parallel_loop3A_130 = arith.constant 0 : i32
      %parallel_loop3A_131 = arith.cmpi slt, %parallel_loop3A_127, %parallel_loop3A_130 : i32
      %parallel_loop3A_132 = arith.constant 0 : i32
      %parallel_loop3A_133 = arith.cmpi slt, %parallel_loop3A_126, %parallel_loop3A_132 : i32
      %parallel_loop3A_134 = arith.xori %parallel_loop3A_131, %parallel_loop3A_133 : i1
      %parallel_loop3A_135 = arith.andi %parallel_loop3A_134, %parallel_loop3A_129 : i1
      %parallel_loop3A_136 = arith.addi %parallel_loop3A_127, %parallel_loop3A_126 : i32
      %parallel_loop3A_137 = arith.select %parallel_loop3A_135, %parallel_loop3A_136, %parallel_loop3A_127 : i32
      %parallel_loop3A_138 = arith.index_cast %parallel_loop3A_121 : i32 to index
      %parallel_loop3A_139 = arith.index_cast %parallel_loop3A_137 : i32 to index
      %parallel_loop3A_140 = tpu.vector_load %arg7[%parallel_loop3A_138, %parallel_loop3A_139] {strides = array<i32>} : memref<40x128xi32, #tpu.memory_space<vmem>>, vector<16xi32>,
      %parallel_loop3A_141 = arith.constant 51200 : i32
      %parallel_loop3A_142 = vector.broadcast %parallel_loop3A_141 : i32 to vector<16xi32>
      %parallel_loop3A_143 = arith.cmpi sge, %parallel_loop3A_140, %parallel_loop3A_142 : vector<16xi32>
      %parallel_loop3A_144 = arith.constant 51200 : i32
      %parallel_loop3A_145 = vector.broadcast %parallel_loop3A_144 : i32 to vector<16xi32>
      %parallel_loop3A_146 = arith.subi %parallel_loop3A_140, %parallel_loop3A_145 : vector<16xi32>
      %parallel_loop3A_147 = arith.select %parallel_loop3A_143, %parallel_loop3A_146, %parallel_loop3A_140 : vector<16xi1>, vector<16xi32>
      %parallel_loop3A_148 = tpu.vector_load_idx %arg6[%parallel_loop3A_147] : memref<51200xf32, #tpu.memory_space<vmem>>[vector<16xi32>], vector<16xf32>,
      %parallel_loop3A_149 = vector.bitcast %parallel_loop3A_148 : vector<16xf32> to vector<16xi32>
      %parallel_loop3A_150 = arith.constant 16 : i32
      %parallel_loop3A_151 = vector.broadcast %parallel_loop3A_150 : i32 to vector<16xi32>
      %parallel_loop3A_152 = arith.shrui %parallel_loop3A_149, %parallel_loop3A_151 : vector<16xi32>
      %parallel_loop3A_153 = arith.constant 65535 : i32
      %parallel_loop3A_154 = vector.broadcast %parallel_loop3A_153 : i32 to vector<16xi32>
      %parallel_loop3A_155 = arith.andi %parallel_loop3A_149, %parallel_loop3A_154 : vector<16xi32>
      %parallel_loop3A_156 = arith.select %parallel_loop3A_143, %parallel_loop3A_152, %parallel_loop3A_155 : vector<16xi1>, vector<16xi32>
      %parallel_loop3A_157 = arith.constant 16 : i32
      %parallel_loop3A_158 = vector.broadcast %parallel_loop3A_157 : i32 to vector<16xi32>
      %parallel_loop3A_159 = arith.shli %parallel_loop3A_156, %parallel_loop3A_158 : vector<16xi32>
      %parallel_loop3A_160 = vector.bitcast %parallel_loop3A_159 : vector<16xi32> to vector<16xf32>
      %parallel_loop3A_161 = arith.index_cast %parallel_loop3A_121 : i32 to index
      %parallel_loop3A_162 = arith.index_cast %parallel_loop3A_137 : i32 to index
      %parallel_loop3A_163 = tpu.vector_load %arg9[%parallel_loop3A_161, %parallel_loop3A_162] {strides = array<i32>} : memref<40x128xf32, #tpu.memory_space<vmem>>, vector<16xf32>,
      tpu.vector_store %arg9[%parallel_loop3A_161, %parallel_loop3A_162], %parallel_loop3A_160 {strides = array<i32>} : memref<40x128xf32, #tpu.memory_space<vmem>>, vector<16xf32>,
    } {sc.loop_unroll_factor = 8 : i64, sc.parallel_access}
    %dma_start3A_51 = arith.constant 80 : i32
    %dma_start3A_52 = tpu.memref_slice %arg4[%dma_start3A_51, %mul3A_2] : memref<200x4096xf32, #tpu.memory_space<hbm>> -> memref<40x128xf32, #tpu.memory_space<hbm>>
    %dma_start3A_53 = arith.constant 80 : i32
    %dma_start3A_54 = tpu.memref_slice %arg4[%dma_start3A_53, %mul3A_2] : memref<200x4096xf32, #tpu.memory_space<hbm>> -> memref<40x128xf32, #tpu.memory_space<hbm>>
    tpu.enqueue_dma source(%arg9 : memref<40x128xf32, #tpu.memory_space<vmem>>) target(%dma_start3A_54 : memref<40x128xf32, #tpu.memory_space<hbm>>) target_semaphore(%arg14 : memref<!tpu.dma_semaphore, #tpu.memory_space<semaphore_mem>>)
    %dma_start3A_55 = arith.constant 160 : i32
    %dma_start3A_56 = tpu.memref_slice %arg3[%dma_start3A_55, %mul3A_2] : memref<200x4096xi32, #tpu.memory_space<hbm>> -> memref<40x128xi32, #tpu.memory_space<hbm>>
    %dma_start3A_57 = arith.constant 160 : i32
    %dma_start3A_58 = tpu.memref_slice %arg3[%dma_start3A_57, %mul3A_2] : memref<200x4096xi32, #tpu.memory_space<hbm>> -> memref<40x128xi32, #tpu.memory_space<hbm>>
    tpu.enqueue_dma source(%dma_start3A_58 : memref<40x128xi32, #tpu.memory_space<hbm>>) target(%arg7 : memref<40x128xi32, #tpu.memory_space<vmem>>) target_semaphore(%arg12 : memref<!tpu.dma_semaphore, #tpu.memory_space<semaphore_mem>>)
    %dma_wait3A_59 = arith.constant 120 : i32
    %dma_wait3A_60 = tpu.memref_slice %arg3[%dma_wait3A_59, %mul3A_2] : memref<200x4096xi32, #tpu.memory_space<hbm>> -> memref<40x128xi32, #tpu.memory_space<hbm>>
    %dma_wait3A_61 = arith.constant 120 : i32
    %dma_wait3A_62 = tpu.memref_slice %arg3[%dma_wait3A_61, %mul3A_2] : memref<200x4096xi32, #tpu.memory_space<hbm>> -> memref<40x128xi32, #tpu.memory_space<hbm>>
    tpu.wait_dma2 semaphore(%arg13 : memref<!tpu.dma_semaphore, #tpu.memory_space<semaphore_mem>>) src(%dma_wait3A_62 : memref<40x128xi32, #tpu.memory_space<hbm>>) dst(%arg8 : memref<40x128xi32, #tpu.memory_space<vmem>>)
    %dma_wait3A_63 = arith.constant 40 : i32
    %dma_wait3A_64 = tpu.memref_slice %arg4[%dma_wait3A_63, %mul3A_2] : memref<200x4096xf32, #tpu.memory_space<hbm>> -> memref<40x128xf32, #tpu.memory_space<hbm>>
    %dma_wait3A_65 = arith.constant 40 : i32
    %dma_wait3A_66 = tpu.memref_slice %arg4[%dma_wait3A_65, %mul3A_2] : memref<200x4096xf32, #tpu.memory_space<hbm>> -> memref<40x128xf32, #tpu.memory_space<hbm>>
    tpu.wait_dma2 semaphore(%arg15 : memref<!tpu.dma_semaphore, #tpu.memory_space<semaphore_mem>>) src(%arg10 : memref<40x128xf32, #tpu.memory_space<vmem>>) dst(%dma_wait3A_66 : memref<40x128xf32, #tpu.memory_space<hbm>>)
    %parallel_loop3A_67 = arith.constant 0 : i32
    %parallel_loop3A_68 = arith.constant 5120 : i32
    %parallel_loop3A_69 = arith.constant 16 : i32
    scf.for %parallel_loop3A_97 = %parallel_loop3A_67 to %parallel_loop3A_68 step %parallel_loop3A_69  : i32 {
      %parallel_loop3A_98 = arith.constant 128 : i32
      %parallel_loop3A_99 = arith.divsi %parallel_loop3A_97, %parallel_loop3A_98 : i32
      %parallel_loop3A_100 = arith.constant 0 : i32
      %parallel_loop3A_101 = arith.cmpi sgt, %parallel_loop3A_97, %parallel_loop3A_100 : i32
      %parallel_loop3A_102 = arith.extui %parallel_loop3A_101 : i1 to i32
      %parallel_loop3A_103 = arith.constant 0 : i32
      %parallel_loop3A_104 = arith.cmpi slt, %parallel_loop3A_97, %parallel_loop3A_103 : i32
      %parallel_loop3A_105 = arith.extui %parallel_loop3A_104 : i1 to i32
      %parallel_loop3A_106 = arith.subi %parallel_loop3A_102, %parallel_loop3A_105 : i32
      %parallel_loop3A_107 = arith.constant 0 : i32
      %parallel_loop3A_108 = arith.cmpi sgt, %parallel_loop3A_98, %parallel_loop3A_107 : i32
      %parallel_loop3A_109 = arith.extui %parallel_loop3A_108 : i1 to i32
      %parallel_loop3A_110 = arith.constant 0 : i32
      %parallel_loop3A_111 = arith.cmpi slt, %parallel_loop3A_98, %parallel_loop3A_110 : i32
      %parallel_loop3A_112 = arith.extui %parallel_loop3A_111 : i1 to i32
      %parallel_loop3A_113 = arith.subi %parallel_loop3A_109, %parallel_loop3A_112 : i32
      %parallel_loop3A_114 = arith.cmpi ne, %parallel_loop3A_106, %parallel_loop3A_113 : i32
      %parallel_loop3A_115 = arith.remsi %parallel_loop3A_97, %parallel_loop3A_98 : i32
      %parallel_loop3A_116 = arith.constant 0 : i32
      %parallel_loop3A_117 = arith.cmpi ne, %parallel_loop3A_115, %parallel_loop3A_116 : i32
      %parallel_loop3A_118 = arith.andi %parallel_loop3A_114, %parallel_loop3A_117 : i1
      %parallel_loop3A_119 = arith.constant 1 : i32
      %parallel_loop3A_120 = arith.subi %parallel_loop3A_99, %parallel_loop3A_119 : i32
      %parallel_loop3A_121 = arith.select %parallel_loop3A_118, %parallel_loop3A_120, %parallel_loop3A_99 : i32
      %parallel_loop3A_122 = arith.constant 128 : i32
      %parallel_loop3A_123 = arith.constant 0 : i32
      %parallel_loop3A_124 = arith.cmpi eq, %parallel_loop3A_122, %parallel_loop3A_123 : i32
      %parallel_loop3A_125 = arith.constant 1 : i32
      %parallel_loop3A_126 = arith.select %parallel_loop3A_124, %parallel_loop3A_125, %parallel_loop3A_122 : i32
      %parallel_loop3A_127 = arith.remsi %parallel_loop3A_97, %parallel_loop3A_126 : i32
      %parallel_loop3A_128 = arith.constant 0 : i32
      %parallel_loop3A_129 = arith.cmpi ne, %parallel_loop3A_127, %parallel_loop3A_128 : i32
      %parallel_loop3A_130 = arith.constant 0 : i32
      %parallel_loop3A_131 = arith.cmpi slt, %parallel_loop3A_127, %parallel_loop3A_130 : i32
      %parallel_loop3A_132 = arith.constant 0 : i32
      %parallel_loop3A_133 = arith.cmpi slt, %parallel_loop3A_126, %parallel_loop3A_132 : i32
      %parallel_loop3A_134 = arith.xori %parallel_loop3A_131, %parallel_loop3A_133 : i1
      %parallel_loop3A_135 = arith.andi %parallel_loop3A_134, %parallel_loop3A_129 : i1
      %parallel_loop3A_136 = arith.addi %parallel_loop3A_127, %parallel_loop3A_126 : i32
      %parallel_loop3A_137 = arith.select %parallel_loop3A_135, %parallel_loop3A_136, %parallel_loop3A_127 : i32
      %parallel_loop3A_138 = arith.index_cast %parallel_loop3A_121 : i32 to index
      %parallel_loop3A_139 = arith.index_cast %parallel_loop3A_137 : i32 to index
      %parallel_loop3A_140 = tpu.vector_load %arg8[%parallel_loop3A_138, %parallel_loop3A_139] {strides = array<i32>} : memref<40x128xi32, #tpu.memory_space<vmem>>, vector<16xi32>,
      %parallel_loop3A_141 = arith.constant 51200 : i32
      %parallel_loop3A_142 = vector.broadcast %parallel_loop3A_141 : i32 to vector<16xi32>
      %parallel_loop3A_143 = arith.cmpi sge, %parallel_loop3A_140, %parallel_loop3A_142 : vector<16xi32>
      %parallel_loop3A_144 = arith.constant 51200 : i32
      %parallel_loop3A_145 = vector.broadcast %parallel_loop3A_144 : i32 to vector<16xi32>
      %parallel_loop3A_146 = arith.subi %parallel_loop3A_140, %parallel_loop3A_145 : vector<16xi32>
      %parallel_loop3A_147 = arith.select %parallel_loop3A_143, %parallel_loop3A_146, %parallel_loop3A_140 : vector<16xi1>, vector<16xi32>
      %parallel_loop3A_148 = tpu.vector_load_idx %arg6[%parallel_loop3A_147] : memref<51200xf32, #tpu.memory_space<vmem>>[vector<16xi32>], vector<16xf32>,
      %parallel_loop3A_149 = vector.bitcast %parallel_loop3A_148 : vector<16xf32> to vector<16xi32>
      %parallel_loop3A_150 = arith.constant 16 : i32
      %parallel_loop3A_151 = vector.broadcast %parallel_loop3A_150 : i32 to vector<16xi32>
      %parallel_loop3A_152 = arith.shrui %parallel_loop3A_149, %parallel_loop3A_151 : vector<16xi32>
      %parallel_loop3A_153 = arith.constant 65535 : i32
      %parallel_loop3A_154 = vector.broadcast %parallel_loop3A_153 : i32 to vector<16xi32>
      %parallel_loop3A_155 = arith.andi %parallel_loop3A_149, %parallel_loop3A_154 : vector<16xi32>
      %parallel_loop3A_156 = arith.select %parallel_loop3A_143, %parallel_loop3A_152, %parallel_loop3A_155 : vector<16xi1>, vector<16xi32>
      %parallel_loop3A_157 = arith.constant 16 : i32
      %parallel_loop3A_158 = vector.broadcast %parallel_loop3A_157 : i32 to vector<16xi32>
      %parallel_loop3A_159 = arith.shli %parallel_loop3A_156, %parallel_loop3A_158 : vector<16xi32>
      %parallel_loop3A_160 = vector.bitcast %parallel_loop3A_159 : vector<16xi32> to vector<16xf32>
      %parallel_loop3A_161 = arith.index_cast %parallel_loop3A_121 : i32 to index
      %parallel_loop3A_162 = arith.index_cast %parallel_loop3A_137 : i32 to index
      %parallel_loop3A_163 = tpu.vector_load %arg10[%parallel_loop3A_161, %parallel_loop3A_162] {strides = array<i32>} : memref<40x128xf32, #tpu.memory_space<vmem>>, vector<16xf32>,
      tpu.vector_store %arg10[%parallel_loop3A_161, %parallel_loop3A_162], %parallel_loop3A_160 {strides = array<i32>} : memref<40x128xf32, #tpu.memory_space<vmem>>, vector<16xf32>,
    } {sc.loop_unroll_factor = 8 : i64, sc.parallel_access}
    %dma_start3A_70 = arith.constant 120 : i32
    %dma_start3A_71 = tpu.memref_slice %arg4[%dma_start3A_70, %mul3A_2] : memref<200x4096xf32, #tpu.memory_space<hbm>> -> memref<40x128xf32, #tpu.memory_space<hbm>>
    %dma_start3A_72 = arith.constant 120 : i32
    %dma_start3A_73 = tpu.memref_slice %arg4[%dma_start3A_72, %mul3A_2] : memref<200x4096xf32, #tpu.memory_space<hbm>> -> memref<40x128xf32, #tpu.memory_space<hbm>>
    tpu.enqueue_dma source(%arg10 : memref<40x128xf32, #tpu.memory_space<vmem>>) target(%dma_start3A_73 : memref<40x128xf32, #tpu.memory_space<hbm>>) target_semaphore(%arg15 : memref<!tpu.dma_semaphore, #tpu.memory_space<semaphore_mem>>)
    %dma_wait3A_74 = arith.constant 160 : i32
    %dma_wait3A_75 = tpu.memref_slice %arg3[%dma_wait3A_74, %mul3A_2] : memref<200x4096xi32, #tpu.memory_space<hbm>> -> memref<40x128xi32, #tpu.memory_space<hbm>>
    %dma_wait3A_76 = arith.constant 160 : i32
    %dma_wait3A_77 = tpu.memref_slice %arg3[%dma_wait3A_76, %mul3A_2] : memref<200x4096xi32, #tpu.memory_space<hbm>> -> memref<40x128xi32, #tpu.memory_space<hbm>>
    tpu.wait_dma2 semaphore(%arg12 : memref<!tpu.dma_semaphore, #tpu.memory_space<semaphore_mem>>) src(%dma_wait3A_77 : memref<40x128xi32, #tpu.memory_space<hbm>>) dst(%arg7 : memref<40x128xi32, #tpu.memory_space<vmem>>)
    %dma_wait3A_78 = arith.constant 80 : i32
    %dma_wait3A_79 = tpu.memref_slice %arg4[%dma_wait3A_78, %mul3A_2] : memref<200x4096xf32, #tpu.memory_space<hbm>> -> memref<40x128xf32, #tpu.memory_space<hbm>>
    %dma_wait3A_80 = arith.constant 80 : i32
    %dma_wait3A_81 = tpu.memref_slice %arg4[%dma_wait3A_80, %mul3A_2] : memref<200x4096xf32, #tpu.memory_space<hbm>> -> memref<40x128xf32, #tpu.memory_space<hbm>>
    tpu.wait_dma2 semaphore(%arg14 : memref<!tpu.dma_semaphore, #tpu.memory_space<semaphore_mem>>) src(%arg9 : memref<40x128xf32, #tpu.memory_space<vmem>>) dst(%dma_wait3A_81 : memref<40x128xf32, #tpu.memory_space<hbm>>)
    %parallel_loop3A_82 = arith.constant 0 : i32
    %parallel_loop3A_83 = arith.constant 5120 : i32
    %parallel_loop3A_84 = arith.constant 16 : i32
    scf.for %parallel_loop3A_97 = %parallel_loop3A_82 to %parallel_loop3A_83 step %parallel_loop3A_84  : i32 {
      %parallel_loop3A_98 = arith.constant 128 : i32
      %parallel_loop3A_99 = arith.divsi %parallel_loop3A_97, %parallel_loop3A_98 : i32
      %parallel_loop3A_100 = arith.constant 0 : i32
      %parallel_loop3A_101 = arith.cmpi sgt, %parallel_loop3A_97, %parallel_loop3A_100 : i32
      %parallel_loop3A_102 = arith.extui %parallel_loop3A_101 : i1 to i32
      %parallel_loop3A_103 = arith.constant 0 : i32
      %parallel_loop3A_104 = arith.cmpi slt, %parallel_loop3A_97, %parallel_loop3A_103 : i32
      %parallel_loop3A_105 = arith.extui %parallel_loop3A_104 : i1 to i32
      %parallel_loop3A_106 = arith.subi %parallel_loop3A_102, %parallel_loop3A_105 : i32
      %parallel_loop3A_107 = arith.constant 0 : i32
      %parallel_loop3A_108 = arith.cmpi sgt, %parallel_loop3A_98, %parallel_loop3A_107 : i32
      %parallel_loop3A_109 = arith.extui %parallel_loop3A_108 : i1 to i32
      %parallel_loop3A_110 = arith.constant 0 : i32
      %parallel_loop3A_111 = arith.cmpi slt, %parallel_loop3A_98, %parallel_loop3A_110 : i32
      %parallel_loop3A_112 = arith.extui %parallel_loop3A_111 : i1 to i32
      %parallel_loop3A_113 = arith.subi %parallel_loop3A_109, %parallel_loop3A_112 : i32
      %parallel_loop3A_114 = arith.cmpi ne, %parallel_loop3A_106, %parallel_loop3A_113 : i32
      %parallel_loop3A_115 = arith.remsi %parallel_loop3A_97, %parallel_loop3A_98 : i32
      %parallel_loop3A_116 = arith.constant 0 : i32
      %parallel_loop3A_117 = arith.cmpi ne, %parallel_loop3A_115, %parallel_loop3A_116 : i32
      %parallel_loop3A_118 = arith.andi %parallel_loop3A_114, %parallel_loop3A_117 : i1
      %parallel_loop3A_119 = arith.constant 1 : i32
      %parallel_loop3A_120 = arith.subi %parallel_loop3A_99, %parallel_loop3A_119 : i32
      %parallel_loop3A_121 = arith.select %parallel_loop3A_118, %parallel_loop3A_120, %parallel_loop3A_99 : i32
      %parallel_loop3A_122 = arith.constant 128 : i32
      %parallel_loop3A_123 = arith.constant 0 : i32
      %parallel_loop3A_124 = arith.cmpi eq, %parallel_loop3A_122, %parallel_loop3A_123 : i32
      %parallel_loop3A_125 = arith.constant 1 : i32
      %parallel_loop3A_126 = arith.select %parallel_loop3A_124, %parallel_loop3A_125, %parallel_loop3A_122 : i32
      %parallel_loop3A_127 = arith.remsi %parallel_loop3A_97, %parallel_loop3A_126 : i32
      %parallel_loop3A_128 = arith.constant 0 : i32
      %parallel_loop3A_129 = arith.cmpi ne, %parallel_loop3A_127, %parallel_loop3A_128 : i32
      %parallel_loop3A_130 = arith.constant 0 : i32
      %parallel_loop3A_131 = arith.cmpi slt, %parallel_loop3A_127, %parallel_loop3A_130 : i32
      %parallel_loop3A_132 = arith.constant 0 : i32
      %parallel_loop3A_133 = arith.cmpi slt, %parallel_loop3A_126, %parallel_loop3A_132 : i32
      %parallel_loop3A_134 = arith.xori %parallel_loop3A_131, %parallel_loop3A_133 : i1
      %parallel_loop3A_135 = arith.andi %parallel_loop3A_134, %parallel_loop3A_129 : i1
      %parallel_loop3A_136 = arith.addi %parallel_loop3A_127, %parallel_loop3A_126 : i32
      %parallel_loop3A_137 = arith.select %parallel_loop3A_135, %parallel_loop3A_136, %parallel_loop3A_127 : i32
      %parallel_loop3A_138 = arith.index_cast %parallel_loop3A_121 : i32 to index
      %parallel_loop3A_139 = arith.index_cast %parallel_loop3A_137 : i32 to index
      %parallel_loop3A_140 = tpu.vector_load %arg7[%parallel_loop3A_138, %parallel_loop3A_139] {strides = array<i32>} : memref<40x128xi32, #tpu.memory_space<vmem>>, vector<16xi32>,
      %parallel_loop3A_141 = arith.constant 51200 : i32
      %parallel_loop3A_142 = vector.broadcast %parallel_loop3A_141 : i32 to vector<16xi32>
      %parallel_loop3A_143 = arith.cmpi sge, %parallel_loop3A_140, %parallel_loop3A_142 : vector<16xi32>
      %parallel_loop3A_144 = arith.constant 51200 : i32
      %parallel_loop3A_145 = vector.broadcast %parallel_loop3A_144 : i32 to vector<16xi32>
      %parallel_loop3A_146 = arith.subi %parallel_loop3A_140, %parallel_loop3A_145 : vector<16xi32>
      %parallel_loop3A_147 = arith.select %parallel_loop3A_143, %parallel_loop3A_146, %parallel_loop3A_140 : vector<16xi1>, vector<16xi32>
      %parallel_loop3A_148 = tpu.vector_load_idx %arg6[%parallel_loop3A_147] : memref<51200xf32, #tpu.memory_space<vmem>>[vector<16xi32>], vector<16xf32>,
      %parallel_loop3A_149 = vector.bitcast %parallel_loop3A_148 : vector<16xf32> to vector<16xi32>
      %parallel_loop3A_150 = arith.constant 16 : i32
      %parallel_loop3A_151 = vector.broadcast %parallel_loop3A_150 : i32 to vector<16xi32>
      %parallel_loop3A_152 = arith.shrui %parallel_loop3A_149, %parallel_loop3A_151 : vector<16xi32>
      %parallel_loop3A_153 = arith.constant 65535 : i32
      %parallel_loop3A_154 = vector.broadcast %parallel_loop3A_153 : i32 to vector<16xi32>
      %parallel_loop3A_155 = arith.andi %parallel_loop3A_149, %parallel_loop3A_154 : vector<16xi32>
      %parallel_loop3A_156 = arith.select %parallel_loop3A_143, %parallel_loop3A_152, %parallel_loop3A_155 : vector<16xi1>, vector<16xi32>
      %parallel_loop3A_157 = arith.constant 16 : i32
      %parallel_loop3A_158 = vector.broadcast %parallel_loop3A_157 : i32 to vector<16xi32>
      %parallel_loop3A_159 = arith.shli %parallel_loop3A_156, %parallel_loop3A_158 : vector<16xi32>
      %parallel_loop3A_160 = vector.bitcast %parallel_loop3A_159 : vector<16xi32> to vector<16xf32>
      %parallel_loop3A_161 = arith.index_cast %parallel_loop3A_121 : i32 to index
      %parallel_loop3A_162 = arith.index_cast %parallel_loop3A_137 : i32 to index
      %parallel_loop3A_163 = tpu.vector_load %arg9[%parallel_loop3A_161, %parallel_loop3A_162] {strides = array<i32>} : memref<40x128xf32, #tpu.memory_space<vmem>>, vector<16xf32>,
      tpu.vector_store %arg9[%parallel_loop3A_161, %parallel_loop3A_162], %parallel_loop3A_160 {strides = array<i32>} : memref<40x128xf32, #tpu.memory_space<vmem>>, vector<16xf32>,
    } {sc.loop_unroll_factor = 8 : i64, sc.parallel_access}
    %dma_start3A_85 = arith.constant 160 : i32
    %dma_start3A_86 = tpu.memref_slice %arg4[%dma_start3A_85, %mul3A_2] : memref<200x4096xf32, #tpu.memory_space<hbm>> -> memref<40x128xf32, #tpu.memory_space<hbm>>
    %dma_start3A_87 = arith.constant 160 : i32
    %dma_start3A_88 = tpu.memref_slice %arg4[%dma_start3A_87, %mul3A_2] : memref<200x4096xf32, #tpu.memory_space<hbm>> -> memref<40x128xf32, #tpu.memory_space<hbm>>
    tpu.enqueue_dma source(%arg9 : memref<40x128xf32, #tpu.memory_space<vmem>>) target(%dma_start3A_88 : memref<40x128xf32, #tpu.memory_space<hbm>>) target_semaphore(%arg14 : memref<!tpu.dma_semaphore, #tpu.memory_space<semaphore_mem>>)
    %dma_wait3A_89 = arith.constant 120 : i32
    %dma_wait3A_90 = tpu.memref_slice %arg4[%dma_wait3A_89, %mul3A_2] : memref<200x4096xf32, #tpu.memory_space<hbm>> -> memref<40x128xf32, #tpu.memory_space<hbm>>
    %dma_wait3A_91 = arith.constant 120 : i32
    %dma_wait3A_92 = tpu.memref_slice %arg4[%dma_wait3A_91, %mul3A_2] : memref<200x4096xf32, #tpu.memory_space<hbm>> -> memref<40x128xf32, #tpu.memory_space<hbm>>
    tpu.wait_dma2 semaphore(%arg15 : memref<!tpu.dma_semaphore, #tpu.memory_space<semaphore_mem>>) src(%arg10 : memref<40x128xf32, #tpu.memory_space<vmem>>) dst(%dma_wait3A_92 : memref<40x128xf32, #tpu.memory_space<hbm>>)
    %dma_wait3A_93 = arith.constant 160 : i32
    %dma_wait3A_94 = tpu.memref_slice %arg4[%dma_wait3A_93, %mul3A_2] : memref<200x4096xf32, #tpu.memory_space<hbm>> -> memref<40x128xf32, #tpu.memory_space<hbm>>
    %dma_wait3A_95 = arith.constant 160 : i32
    %dma_wait3A_96 = tpu.memref_slice %arg4[%dma_wait3A_95, %mul3A_2] : memref<200x4096xf32, #tpu.memory_space<hbm>> -> memref<40x128xf32, #tpu.memory_space<hbm>>
    tpu.wait_dma2 semaphore(%arg14 : memref<!tpu.dma_semaphore, #tpu.memory_space<semaphore_mem>>) src(%arg9 : memref<40x128xf32, #tpu.memory_space<vmem>>) dst(%dma_wait3A_96 : memref<40x128xf32, #tpu.memory_space<hbm>>)
    return
  }
}

module attributes {stable_mosaic.version = 14 : i64} {
  func.func @_rowsum_body(%arg0: i32, %arg1: memref<5120x128xf32, #tpu.memory_space<vmem>>, %arg2: memref<5120x128xf32, #tpu.memory_space<vmem>>, %arg3: memref<5120xf32, #tpu.memory_space<vmem>>) attributes {dimension_semantics = [#tpu.dimension_semantics<arbitrary>], iteration_bounds = array<i64: 10>, scalar_prefetch = 0 : i64, scratch_operands = 0 : i64, tpu.core_type = #tpu.core_type<tc>, window_params = [{transform_indices = @transform_0, window_bounds = array<i64: 5120, 128>}, {transform_indices = @transform_1, window_bounds = array<i64: 5120, 128>}, {transform_indices = @transform_2, window_bounds = array<i64: 5120>}]} {
    %broadcast_in_dim3A = arith.constant 1.000000e+00 : f32
    %broadcast_in_dim3A_0 = vector.broadcast %broadcast_in_dim3A : f32 to vector<1x128xf32>
    %get3A = arith.constant 0 : index
    %get3A_1 = arith.constant 0 : index
    %get3A_2 = vector.load %arg1[%get3A, %get3A_1] : memref<5120x128xf32, #tpu.memory_space<vmem>>, vector<5120x128xf32>
    %dot_general3A = arith.constant dense<0.000000e+00> : vector<1x5120xf32>
    %dot_general3A_3 = tpu.matmul %broadcast_in_dim3A_0, %get3A_2, %dot_general3A {dimension_numbers = #tpu.dot_dimension_numbers<[1], [1], [0], [0], [0, 0, 1, 0], [], []>, transpose_lhs_hint = false} : vector<1x128xf32>, vector<5120x128xf32>, vector<1x5120xf32> -> vector<1x5120xf32>
    %logistic3A = arith.negf %dot_general3A_3 : vector<1x5120xf32>
    %logistic3A_4 = math.exp %logistic3A : vector<1x5120xf32>
    %logistic3A_5 = arith.constant 1.000000e+00 : f32
    %logistic3A_6 = vector.broadcast %logistic3A_5 : f32 to vector<1x5120xf32>
    %logistic3A_7 = arith.addf %logistic3A_6, %logistic3A_4 : vector<1x5120xf32>
    %logistic3A_8 = arith.divf %logistic3A_6, %logistic3A_7 : vector<1x5120xf32>
    %convert_element_type3A = arith.truncf %logistic3A_8 : vector<1x5120xf32> to vector<1x5120xbf16>
    %bitcast_convert_type3A = tpu.bitcast %convert_element_type3A : vector<1x5120xbf16> -> vector<1x5120xi16>
    %convert_element_type3A_9 = arith.extui %bitcast_convert_type3A : vector<1x5120xi16> to vector<1x5120xi32>
    %get3A_10 = arith.constant 0 : index
    %get3A_11 = arith.constant 0 : index
    %get3A_12 = vector.load %arg2[%get3A_10, %get3A_11] : memref<5120x128xf32, #tpu.memory_space<vmem>>, vector<5120x128xf32>
    %dot_general3A_13 = arith.constant dense<0.000000e+00> : vector<1x5120xf32>
    %dot_general3A_14 = tpu.matmul %broadcast_in_dim3A_0, %get3A_12, %dot_general3A_13 {dimension_numbers = #tpu.dot_dimension_numbers<[1], [1], [0], [0], [0, 0, 1, 0], [], []>, transpose_lhs_hint = false} : vector<1x128xf32>, vector<5120x128xf32>, vector<1x5120xf32> -> vector<1x5120xf32>
    %logistic3A_15 = arith.negf %dot_general3A_14 : vector<1x5120xf32>
    %logistic3A_16 = math.exp %logistic3A_15 : vector<1x5120xf32>
    %logistic3A_17 = arith.constant 1.000000e+00 : f32
    %logistic3A_18 = vector.broadcast %logistic3A_17 : f32 to vector<1x5120xf32>
    %logistic3A_19 = arith.addf %logistic3A_18, %logistic3A_16 : vector<1x5120xf32>
    %logistic3A_20 = arith.divf %logistic3A_18, %logistic3A_19 : vector<1x5120xf32>
    %convert_element_type3A_21 = arith.truncf %logistic3A_20 : vector<1x5120xf32> to vector<1x5120xbf16>
    %bitcast_convert_type3A_22 = tpu.bitcast %convert_element_type3A_21 : vector<1x5120xbf16> -> vector<1x5120xi16>
    %convert_element_type3A_23 = arith.extui %bitcast_convert_type3A_22 : vector<1x5120xi16> to vector<1x5120xi32>
    %shift_left3A = arith.constant 16 : i32
    %shift_left3A_24 = vector.broadcast %shift_left3A : i32 to vector<1x5120xi32>
    %shift_left3A_25 = arith.shli %convert_element_type3A_23, %shift_left3A_24 : vector<1x5120xi32>
    %or3A = arith.ori %convert_element_type3A_9, %shift_left3A_25 : vector<1x5120xi32>
    %bitcast_convert_type3A_26 = tpu.bitcast %or3A : vector<1x5120xi32> -> vector<1x5120xf32>
    %reshape3A = vector.shape_cast %bitcast_convert_type3A_26 : vector<1x5120xf32> to vector<5120xf32>
    %swap3A = arith.constant 0 : index
    %swap3A_27 = vector.load %arg3[%swap3A] : memref<5120xf32, #tpu.memory_space<vmem>>, vector<5120xf32>
    tpu.vector_store %arg3[%swap3A], %reshape3A {strides = array<i32>} : memref<5120xf32, #tpu.memory_space<vmem>>, vector<5120xf32>,
    return
  }
  func.func @transform_0(%arg0: i32) -> (i32, i32) {
    %c0_i32 = arith.constant 0 : i32
    %c0_i32_0 = arith.constant 0 : i32
    return %arg0, %c0_i32 : i32, i32
  }
  func.func @transform_1(%arg0: i32) -> (i32, i32) {
    %add3A = arith.constant 10 : i32
    %add3A_0 = arith.addi %arg0, %add3A : i32
    %c0_i32 = arith.constant 0 : i32
    %c0_i32_1 = arith.constant 0 : i32
    return %add3A_0, %c0_i32 : i32, i32
  }
  func.func @transform_2(%arg0: i32) -> i32 {
    %c0_i32 = arith.constant 0 : i32
    return %arg0 : i32
  }
}

</mosaic_0001>

<sc_bundles>
// kernel: kernel.4.cloned.1.call-start
scs
__scs_entry_jumppad:
0x0: {  	(pc) =	sbr.rel $0x88, $3  }
0x1: {  	(tag) =	ssettag $0x0;
	lr =	simm.s32 $0x1  }
0x2: {  	[smem:$0x3F9F] =	sst lr;
	_ =	strace $0xD0000000  }
0x3: {  	_ = 	snop  }
0x4: {  	_ = 	snop  }
0x5: {  	_ = 	snop  }
0x6: {  	_ = 	snop  }
0x7: {  	_ = 	snop  }
__scs_overlays_trampoline_lowered:
0x8: {  	[smem:$0x3FAE] =	sst s0  }
0x9: {  	[smem:$0x3FAF] =	sst s1  }
0xa: {  	[smem:$0x3FB0] =	sst s2  }
0xb: {  	[smem:$0x3FB1] =	sst s3  }
0xc: {  	[smem:$0x3FB2] =	sst s4  }
0xd: {  	[smem:$0x3FB3] =	sst s5  }
0xe: {  	[smem:$0x3FB4] =	sst s6  }
0xf: {  	[smem:$0x3FB5] =	sst s7  }
0x10: {  	[smem:$0x3FB6] =	sst s8  }
0x11: {  	[smem:$0x3FB7] =	sst s9;
	s0 =	simm.s32 @!p0 $0x0  }
0x12: {  	s1 =	sld [smem:$0x3F9D];
	s0 =	simm.s32 @p0 $0x1  }
0x13: {  	[smem:$0x3FB8] =	sst s0;
	s0 =	simm.s32 @!p1 $0x0  }
0x14: {  	s2 =	sld [smem:$0x3F9C];
	s0 =	simm.s32 @p1 $0x1  }
0x15: {  	[smem:$0x3FB9] =	sst s0;
	s0 =	simm.s32 @!p2 $0x0  }
0x16: {  	s3 =	sld [smem:$0x3FDB];
	s0 =	simm.s32 @p2 $0x1  }
0x17: {  	s4 =	simm.s32 $0x1BF5;
	[smem:$0x3FBB] =	sst s0  }
0x18: {  	s0 =	sld [smem:$0x3F9E];
	_ =	swait.ge [sflag:s4], $0x0  }
0x19: {  	s7 =	sld [smem:$0x3F9F]  }
0x1a: {  	s8 =	sadd.s32 $0xFFFFE003, lr  }
0x1b: {  	s9 =	sadd.s32 $0xFFFFFEF7, lr;
	s5 =	simm.s32 $0xFFFFFFFF;
	p2 =	slt.u32 s8, $0xFFFFF086  }
0x1c: {  	p1 =	slt.u32 s9, $0xF7A;
	s5 =	simm.s32 @!p2 $0x0  }
0x1d: {  	s5 =	simm.s32 @p1 $0x1;
	p0 =	seq.s32 s7, s2  }
0x1e: {  	s7 =	smul.u32 @!p0 $0xF7A, s2;
	p2 =	seq.s32 @!p0 s5, $0x0  }
0x1f: {  	s9 =	smul.u32 $0xF7A, s1;
	s8 =	simm.s32 @!p0 $0x1BF5;
	p2 =	por !p2, p0  }
0x20: {  	[sflag:s8] =	ssyncset.s32 @!p0 $0xFFFFF086;
	s6 =	sadd.s32 @!p0 s3, s7;
	s7 =	simm.s32 @!p0 $0x108  }
0x21: {  	s3 =	sadd.s32 s3, s9;
	s6 =	sadd.s32 @!p0 $0x88, s6;
	s7 =	simm.s32 @p2 $0x1082  }
0x22: {  	[simem:s7], [sflag:s8] =	dma.local @!p0 [hbm:s6], $0xF7A  }
0x23: {  	s9 =	sor.u32 $0xD0000000, s2;
	s6 =	simm.s32 $0x108;
	_ =	swait.ge @!p0 [sflag:s8], $0x0  }
0x24: {  	s3 =	sadd.s32 $0x88, s3;
	s6 =	simm.s32 @!p1 $0x1082;
	[sflag:s4] =	ssyncset.s32 $0xFFFFF086  }
0x25: {  	[simem:s6], [sflag:s4] =	dma.local [hbm:s3], $0xF7A  }
0x26: {  	[smem:$0x3F9F] =	sst s1;
	(tag) =	ssettag s2;
	_ =	strace s9  }
0x27: {  	s1 =	sld [smem:$0x3FAF]  }
0x28: {  	s2 =	sld [smem:$0x3FB0]  }
0x29: {  	s4 =	sld [smem:$0x3FB2]  }
0x2a: {  	p0 =	seq.s32 s5, $0x0;
	s5 =	sld [smem:$0x3FB3]  }
0x2b: {  	s6 =	sld [smem:$0x3FB4]  }
0x2c: {  	s7 =	sld [smem:$0x3FB5]  }
0x2d: {  	s3 =	simm.s32 $0x108;
	s8 =	sld [smem:$0x3FB6]  }
0x2e: {  	s3 =	simm.s32 @!p0 $0x1082;
	s9 =	sld [smem:$0x3FB7]  }
0x2f: {  	lr =	sadd.s32 s0, s3;
	s0 =	sld [smem:$0x3FAE]  }
0x30: {  	s3 =	sld [smem:$0x3FB1]  }
0x31: {  	[smem:$0x3FBA] =	sst s10  }
0x32: {  	s10 =	sld [smem:$0x3FB8];
	_ =	sdelay $0x3  }
0x33: {  	p0 =	seq.s32 s10, $0x1;
	s10 =	sld [smem:$0x3FBA];
	_ =	sdelay $0x3  }
0x34: {  	[smem:$0x3FBA] =	sst s10  }
0x35: {  	s10 =	sld [smem:$0x3FB9];
	_ =	sdelay $0x3  }
0x36: {  	p1 =	seq.s32 s10, $0x1;
	s10 =	sld [smem:$0x3FBA];
	_ =	sdelay $0x3  }
0x37: {  	[smem:$0x3FBA] =	sst s10  }
0x38: {  	s10 =	sld [smem:$0x3FBB]  }
0x39: {  	_ = 	snop;
	(pc) =	sbr.ind lr, $3  }
0x3a: {  	_ = 	snop  }
0x3b: {  	_ = 	snop  }
0x3c: {  	p2 =	seq.s32 s10, $0x1;
	s10 =	sld [smem:$0x3FBA]  }
0x3d: {  	_ =	shalt  }
0x3e: {  	_ =	shalt  }
0x3f: {  	_ =	shalt  }
0x40: {  	_ =	shalt  }
0x41: {  	_ =	shalt  }
0x42: {  	_ =	shalt  }
0x43: {  	_ =	shalt  }
0x44: {  	_ =	shalt  }
0x45: {  	_ =	shalt  }
0x46: {  	_ =	shalt  }
0x47: {  	_ =	shalt  }
0x48: {  	_ =	shalt  }
0x49: {  	_ =	shalt  }
0x4a: {  	_ =	shalt  }
0x4b: {  	_ =	shalt  }
0x4c: {  	_ =	shalt  }
0x4d: {  	_ =	shalt  }
0x4e: {  	_ =	shalt  }
0x4f: {  	_ =	shalt  }
0x50: {  	_ =	shalt  }
0x51: {  	_ =	shalt  }
0x52: {  	_ =	shalt  }
0x53: {  	_ =	shalt  }
0x54: {  	_ =	shalt  }
0x55: {  	_ =	shalt  }
0x56: {  	_ =	shalt  }
0x57: {  	_ =	shalt  }
0x58: {  	_ =	shalt  }
0x59: {  	_ =	shalt  }
0x5a: {  	_ =	shalt  }
0x5b: {  	_ =	shalt  }
0x5c: {  	_ =	shalt  }
0x5d: {  	_ =	shalt  }
0x5e: {  	_ =	shalt  }
0x5f: {  	_ =	shalt  }
0x60: {  	_ =	shalt  }
0x61: {  	_ =	shalt  }
0x62: {  	_ =	shalt  }
0x63: {  	_ =	shalt  }
0x64: {  	_ =	shalt  }
0x65: {  	_ =	shalt  }
0x66: {  	_ =	shalt  }
0x67: {  	_ =	shalt  }
0x68: {  	_ =	shalt  }
0x69: {  	_ =	shalt  }
0x6a: {  	_ =	shalt  }
0x6b: {  	_ =	shalt  }
0x6c: {  	_ =	shalt  }
0x6d: {  	_ =	shalt  }
0x6e: {  	_ =	shalt  }
0x6f: {  	_ =	shalt  }
0x70: {  	_ =	shalt  }
0x71: {  	_ =	shalt  }
0x72: {  	_ =	shalt  }
0x73: {  	_ =	shalt  }
0x74: {  	_ =	shalt  }
0x75: {  	_ =	shalt  }
0x76: {  	_ =	shalt  }
0x77: {  	_ =	shalt  }
0x78: {  	_ =	shalt  }
0x79: {  	_ =	shalt  }
0x7a: {  	_ =	shalt  }
0x7b: {  	_ =	shalt  }
0x7c: {  	_ =	shalt  }
0x7d: {  	_ =	shalt  }
0x7e: {  	_ =	shalt  }
0x7f: {  	_ =	shalt  }
0x80: {  	_ =	shalt  }
0x81: {  	_ =	shalt  }
0x82: {  	_ =	shalt  }
0x83: {  	_ =	shalt  }
0x84: {  	_ =	shalt  }
0x85: {  	_ =	shalt  }
0x86: {  	_ =	shalt  }
0x87: {  	_ =	shalt  }
.Lfunc_end0:
.L_simem_size_0:
called_computation_lowered:
.L_overlay_start_0:
0x88: {  	s2 =	sld [smem:$0x3FD9]  }
0x89: {  	s3 =	sld [smem:$0x3FFE];
	_ =	sdelay $0x1  }
0x8a: {  	s1 =	srdreg.scid  }
0x8b: {  	s0 =	sand.u32 $0x1, s1  }
0x8c: {  	s17 =	sshll.u32 s0, $0xA;
	s2 =	sadd.s32 s3, s2  }
0x8d: {  	s2 =	sadd.s32 s2, s17  }
0x8e: {  	[smem:$0x3FC6] =	sst s2  }
0x8f: {  	_ = 	snop  }
0x90: {  	s2 =	sld [smem:$0x3FC9]  }
0x91: {  	s18 =	sld [smem:$0x3FD0];
	(tm) =	ssettm $0x1  }
0x92: {  	s4 =	sld [smem:$0x3FFB];
	_ =	sdelay $0x3  }
0x93: {  	_ =	strace s4  }
0x94: {  	s4 =	sld [smem:$0x3FFC];
	_ =	sdelay $0x3  }
0x95: {  	_ =	strace s4  }
0x96: {  	s4 =	sld [smem:$0x3FFD];
	_ =	sdelay $0x3  }
0x97: {  	_ =	strace s4  }
0x98: {  	_ =	strace $0x8FFFFFFF  }
0x99: {  	s19 =	sld [smem:$0x3FDB];
	_ =	sdelay $0x1  }
0x9a: {  	s5 =	simm.s32 $_scs_section_size  }
0x9b: {  	s6 =	simm.s32 $_size__tile_overlayer_lowered;
	s7 =	simm.s32 $_tile_overlayer_lowered  }
0x9c: {  	s22 =	simm.s32 $0x1BFF;
	s21 =	sshll.u32 s7, $0x1;
	s4 =	sadd.s32 s5, s19  }
0x9d: {  	s8 =	simm.s32 $0x0;
	s20 =	sshll.u32 s6, $0x1;
	s6 =	sadd.s32 s21, s4  }
0x9e: {  	[timem:s8], [sflag:s22] =	dma.local [hbm:s6], s20  }
0x9f: {  	_ =	swait.ge [sflag:s22], s20  }
0xa0: {  	s5 =	ssub.s32 $0x0, s20;
	[sflag:s22] =	ssyncset.done $0x0  }
0xa1: {  	[sflag:s22] =	ssyncadd.s32 s5;
	_ =	sdelay $0x1  }
0xa2: {  	s23 =	simm.s32 $0x1B8B  }
0xa3: {  	_ =	swait.ge [sflag:s23], $0x1  }
0xa4: {  	[sflag:s23] =	ssyncset.done $0x0  }
0xa5: {  	s25 =	simm.s32 $0x1B8E;
	s24 =	sld [smem:$0x3FFE];
	[sflag:s23] =	ssyncadd.s32 $0xFFFFFFFF  }
0xa6: {  	s26 =	simm.s32 $execute0_lowered;
	[smem:$0x3FD2] =	sst s25  }
0xa7: {  	s6 =	sshll.u32 s26, $0x1;
	_ =	strace $0x80000046;
	[dreg:$0x1] =	wrdreg $0xFFFFFFFF  }
0xa8: {  	s28 =	simm.s32 $_size_execute0_lowered;
	s4 =	sadd.s32 s4, s6;
	[dreg:$0x0] =	wrdreg $0x0  }
0xa9: {  	s6 =	sshll.u32 s28, $0x1;
	[dreg:$0x2] =	wrdreg s4  }
0xaa: {  	[dreg:$0x3] =	wrdreg s6  }
0xab: {  	[dreg:$0x4] =	wrdreg $0xC0  }
0xac: {  	_ =	task [dreg:s8], $0x5FFFF  }
0xad: {  	[dreg:$0x1] =	wrdreg $0xFFFFFFFF  }
0xae: {  	[dreg:$0x0] =	wrdreg $0x60  }
0xaf: {  	[dreg:$0x2] =	wrdreg s24  }
0xb0: {  	[dreg:$0x3] =	wrdreg s2  }
0xb1: {  	[dreg:$0x4] =	wrdreg s18  }
0xb2: {  	[dreg:$0x5] =	wrdreg $0x0  }
0xb3: {  	[dreg:$0x6] =	wrdreg $0x9  }
0xb4: {  	_ =	task.clear_ibuf [dreg:s8], $0x7FFFF;
	_ =	strace $0x90000046  }
0xb5: {  	s29 =	simm.s32 $0x9;
	_ =	strace $0x80000048  }
0xb6: {  	_ =	swait.ge [sflag:s29], $0x1  }
0xb7: {  	[sflag:s29] =	ssyncadd.s32 $0xFFFFFFFF  }
0xb8: {  	_ =	strace $0x90000048  }
0xb9: {  	_ =	sfence  }
0xba: {  	s30 =	sld [smem:$0x0];
	_ =	sdelay $0x2  }
0xbb: {  	s31 =	sshll.u32 s1, $0xD;
	s1 =	sshrl.u32 s1, $0x2  }
0xbc: {  	s3 =	sand.u32 $0x4000, s31;
	s1 =	sadd.s32 s1, s30  }
0xbd: {  	s0 =	sor.u32 s3, s0;
	s1 =	sshll.u32 s1, $0x11  }
0xbe: {  	s0 =	sor.u32 s1, s0  }
0xbf: {  	s0 =	sadd.s32 $0x8F2B, s0  }
0xc0: {  	[sflag:s0] =	ssyncadd.remote.s32 $0x1  }
0xc1: {  	_ =	sfence.sel $0xFFFF  }
0xc2: {  	[dreg:$0x0] =	wrdreg $0xFFFFFFFF;
	(pc) =	sbr.abs _section_cstart, $3  }
0xc3: {  	[dreg:$0x1] =	wrdreg $0xFFFFFFFF  }
0xc4: {  	_ =	task.clear_ibuf [dreg:s8], $0x2FFFF;
	_ =	strace $0x9FFFFFFF  }
0xc5: {  	(tm) =	ssettm $0x7FFFFFFF  }
tec
execute0_lowered:
.L_overlay_start_1:
0x0: {  	(tag) =	ssettag $0x1  }
0x1: {  	s3 =	rddreg [dreg:$0x0]  }
0x2: {  	s11 =	rddreg [dreg:$0x1]  }
0x3: {  	s13 =	rddreg [dreg:$0x2]  }
0x4: {  	s1 =	rddreg [dreg:$0x3]  }
0x5: {  	s0 =	rddreg [dreg:$0x4]  }
0x6: {  	s2 =	simm.s32 $0x0;
	s4 =	srdreg.scid;
	s15 =	stileid.u32  }
0x7: {  	s19 =	simm.s32 $0xC80;
	s20 =	simm.s32 $0x1;
	s21 =	simm.s32 $0xE880  }
0x8: {  	s22 =	simm.s32 $0x2;
	s23 =	simm.s32 $0xFC80;
	s24 =	simm.s32 $0x3  }
0x9: {  	s25 =	simm.s32 $0x11080;
	s26 =	simm.s32 $0x4;
	s28 =	simm.s32 $0x5  }
0xa: {  	[smem:$0x7FF] =	sst s2;
	s4 =	sand.u32 $0x1, s4;
	s6 =	sshll.u32 s15, $0x8  }
0xb: {  	s3 =	sadd.s32 $0x600, s3;
	p0 =	sne.s32 s15, $0x0;
	s15 =	simm.s32 $0x400  }
0xc: {  	_ =	strace $0x80000047;
	s5 =	ssub.s32 $0x2, s4;
	s4 =	sshll.u32 s4, $0x7  }
0xd: {  	s18 =	sshrl.u32 @!p0 s1, $0x3;
	s7 =	sshrl.u32 s5, $0x1;
	s12 =	sor.u32 s4, s6  }
0xe: {  	s14 =	ssub.s32 s5, s7;
	s4 =	sadd.s32 s11, s12;
	s8 =	sor.u32 $0x5000, s12  }
0xf: {  	s6 =	sadd.s32 s13, s12;
	s10 =	sor.u32 $0xA000, s12;
	s16 =	sor.u32 $0xF000, s12  }
0x10: {  	s17 =	sor.u32 $0x14000, s12;
	s5 =	sadd.s32 s11, s8;
	s7 =	sadd.s32 s11, s10  }
0x11: {  	s8 =	sadd.s32 s13, s8;
	s9 =	sadd.s32 s11, s16;
	s10 =	sadd.s32 s13, s10  }
0x12: {  	s11 =	sadd.s32 s11, s17;
	s12 =	sadd.s32 s13, s16;
	s13 =	sadd.s32 s13, s17  }
0x13: {  	s14 =	smax.u32 s14, $0x1;
	s16 =	simm.s32 $0x8000;
	s17 =	simm.s32 $0xD480  }
.LBB2_1:
0x14: {  	[tilespmem:s17], [sflag:$0x2] =	stream.strided.gather [hbm4b:s4+s15], $0x1400, s16, s15, $0x38;
	[tilespmem:$0x12480] =	vst v63  }
0x15: {  	s29 =	simm.s32 @!p0 $0x1C06  }
0x16: {  	[spmem:s18], [sflag:s29] =	dma.local @!p0 [hbm:s3], $0x1900  }
0x17: {  	s29 =	simm.s32 @!p0 $0x6  }
0x18: {  	_ =	swait.ge @!p0 [sflag:s29], $0x1900  }
0x19: {  	[sflag:s29] =	ssyncset.done @!p0 $0x0  }
0x1a: {  	[sflag:s29] =	ssyncadd.s32 @!p0 $0xFFFFE700  }
0x1b: {  	[bflag:$0x0] =	sbarrier.arrive $0xFFFF  }
0x1c: {  	[tilespmem:s19], [sflag:$0x1] =	stream.linear.gather [spmem:s1], $0xC800, $0x38;
	[tilespmem:$0x12480] =	vst v63  }
0x1d: {  	_ =	swait.ge [sflag:s20], $0xC800  }
0x1e: {  	[sflag:s20] =	ssyncset.done $0x0  }
0x1f: {  	[sflag:s20] =	ssyncadd.s32 $0xFFFF3800  }
0x20: {  	[tilespmem:s21], [sflag:$0x3] =	stream.strided.gather [hbm4b:s5+s15], $0x1400, s16, s15, $0x38;
	[tilespmem:$0x12480] =	vst v63  }
0x21: {  	_ =	swait.ge [sflag:s22], $0x1400  }
0x22: {  	[sflag:s22] =	ssyncset.done $0x0  }
0x23: {  	s29 =	simm.s32 $0xD4C0;
	[sflag:s22] =	ssyncadd.s32 $0xFFFFEC00  }
0x24: {  	v0 =	vld [tilespmem:s29+$0x30]  }
0x25: {  	v1 =	vld [tilespmem:s29+$0xFFFFFFD0]  }
0x26: {  	v2 =	vld [tilespmem:s29+$0xFFFFFFE0];
	_ =	sdelay $0x1  }
0x27: {  	v3 =	vld [tilespmem:s29+$0xFFFFFFF0]  }
0x28: {  	v4 =	vld [tilespmem:s29+$0x0]  }
0x29: {  	v5 =	vld [tilespmem:s29+$0x10];
	vm2 =	vgt.s32 v0, $0xC7FF;
	v6 =	vadd.s32 $0xFFFF3800, v0  }
0x2a: {  	v8 =	vld [tilespmem:s29+$0xFFFFFFC0];
	vm3 =	vgt.s32 v1, $0xC7FF;
	v7 =	vadd.s32 $0xFFFF3800, v1;
	vm1 =	vgt.s32 v2, $0xC7FF  }
0x2b: {  	v0 =	vsel vm2, v6, v0;
	v1 =	vsel vm3, v7, v1;
	v6 =	vadd.s32 $0xFFFF3800, v2;
	v7 =	vld [tilespmem:s29+$0x20];
	s29 =	simm.s32 $0xD540  }
0x2c: {  	vm0 =	vgt.s32 v3, $0xC7FF;
	v2 =	vsel vm1, v6, v2;
	v6 =	vadd.s32 $0xFFFF3800, v3;
	v10 =	vld [tilespmem:s29+$0xFFFFFFD0]  }
0x2d: {  	vm4 =	vgt.s32 v4, $0xC7FF;
	v12 =	vld [tilespmem:s29+$0xFFFFFFF0];
	v3 =	vsel vm0, v6, v3;
	v6 =	vadd.s32 $0xFFFF3800, v4  }
0x2e: {  	vm5 =	vgt.s32 v5, $0xC7FF;
	v13 =	vld [tilespmem:s29+$0x0];
	v4 =	vsel vm4, v6, v4;
	v6 =	vadd.s32 $0xFFFF3800, v5  }
0x2f: {  	v18 =	vld [tilespmem:s29+$0x20];
	v5 =	vsel vm5, v6, v5  }
0x30: {  	v0 =	vld.idx.msk [tilespmem:v0+s19+$0x0], $0xffff  }
0x31: {  	vm8 =	vgt.s32 v8, $0xC7FF;
	v1 =	vld.idx.msk [tilespmem:v1+s19+$0x0], $0xffff  }
0x32: {  	v9 =	vadd.s32 $0xFFFF3800, v8;
	vm6 =	vgt.s32 v7, $0xC7FF;
	v6 =	vadd.s32 $0xFFFF3800, v7;
	v2 =	vld.idx.msk [tilespmem:v2+s19+$0x0], $0xffff  }
0x33: {  	vm7 =	vmmov vm4;
	v6 =	vsel vm6, v6, v7;
	v7 =	vsel vm8, v9, v8;
	v3 =	vld.idx.msk [tilespmem:v3+s19+$0x0], $0xffff  }
0x34: {  	vm9 =	vmmov vm5;
	vm5 =	vmmov vm8;
	vm4 =	vmmov vm6;
	v8 =	vld.idx.msk [tilespmem:v5+s19+$0x0], $0xffff  }
0x35: {  	v17 =	vadd.s32 $0xFFFF3800, v10;
	v61 =	vadd.s32 $0xFFFF3800, v12;
	vm11 =	vgt.s32 v13, $0xC7FF;
	v5 =	vld [tilespmem:s29+$0x30]  }
0x36: {  	vm8 =	vgt.s32 v18, $0xC7FF;
	v4 =	vld.idx.msk [tilespmem:v4+s19+$0x0], $0xffff;
	v9 =	vshrl.u32 v0, $0x10;
	v11 =	vshrl.u32 v1, $0x10  }
0x37: {  	v0 =	vsel vm2, v9, v0;
	v9 =	vld [tilespmem:s29+$0xFFFFFFE0];
	v1 =	vsel vm3, v11, v1;
	v11 =	vshrl.u32 v2, $0x10  }
0x38: {  	vm3 =	vgt.s32 v10, $0xC7FF;
	v19 =	vld.idx.msk [tilespmem:v7+s19+$0x0], $0xffff;
	v7 =	vadd.s32 $0xFFFF3800, v13;
	v2 =	vsel vm1, v11, v2  }
0x39: {  	v11 =	vshrl.u32 v3, $0x10;
	v10 =	vsel vm3, v17, v10;
	v14 =	vshll.u32 v2, $0x10;
	v2 =	vld [tilespmem:s29+$0x10]  }
0x3a: {  	v11 =	vsel vm0, v11, v3;
	vm1 =	vgt.s32 v5, $0xC7FF;
	v3 =	vadd.s32 $0xFFFF3800, v5  }
0x3b: {  	v0 =	vshll.u32 v0, $0x10;
	vm0 =	vgt.s32 v12, $0xC7FF;
	v3 =	vsel vm1, v3, v5;
	v5 =	vld [tilespmem:s29+$0xFFFFFFC0]  }
0x3c: {  	v12 =	vsel vm0, v61, v12;
	vm2 =	vgt.s32 v9, $0xC7FF;
	v60 =	vadd.s32 $0xFFFF3800, v9  }
0x3d: {  	v62 =	vld.idx.msk [tilespmem:v6+s19+$0x0], $0xffff;
	v1 =	vshll.u32 v1, $0x10;
	v13 =	vsel vm11, v7, v13;
	v9 =	vsel vm2, v60, v9  }
0x3e: {  	v15 =	vshrl.u32 v4, $0x10;
	s29 =	simm.s32 $0xFCC0;
	vm6 =	vgt.s32 v2, $0xC7FF;
	v6 =	vadd.s32 $0xFFFF3800, v2  }
0x3f: {  	v16 =	vshrl.u32 v8, $0x10;
	[tilespmem:s29+$0x30] =	vst v0;
	v0 =	vadd.s32 $0xFFFF3800, v18;
	v7 =	vld.idx.msk [tilespmem:v10+s19+$0x0], $0xffff;
	v20 =	vsel vm6, v6, v2  }
0x40: {  	[tilespmem:s29+$0xFFFFFFD0] =	vst v1;
	v2 =	vsel vm8, v0, v18;
	v6 =	vld.idx.msk [tilespmem:v3+s19+$0x0], $0xffff;
	vm10 =	vgt.s32 v5, $0xC7FF;
	v0 =	vadd.s32 $0xFFFF3800, v5  }
0x41: {  	v1 =	vsel vm9, v16, v8;
	v3 =	vsel vm10, v0, v5;
	v0 =	vsel vm7, v15, v4;
	v4 =	vld.idx.msk [tilespmem:v12+s19+$0x0], $0xffff  }
0x42: {  	[tilespmem:s29+$0xFFFFFFE0] =	vst v14;
	v8 =	vshrl.u32 v19, $0x10;
	v63 =	vshrl.u32 v62, $0x10;
	v5 =	vld.idx.msk [tilespmem:v9+s19+$0x0], $0xffff;
	v9 =	vshll.u32 v11, $0x10  }
0x43: {  	v10 =	vshll.u32 v0, $0x10;
	v0 =	vld.idx.msk [tilespmem:v13+s19+$0x0], $0xffff;
	v11 =	vsel vm5, v8, v19;
	v8 =	vshll.u32 v1, $0x10;
	[tilespmem:s29+$0xFFFFFFF0] =	vst v9  }
0x44: {  	s30 =	simm.s32 $0x80;
	s31 =	simm.s32 $0xD5C0;
	v9 =	vshll.u32 v11, $0x10;
	[tilespmem:s29+$0x0] =	vst v10;
	v10 =	vsel vm4, v63, v62;
	vm4 =	vmmov vm11;
	v1 =	vld.idx.msk [tilespmem:v20+s19+$0x0], $0xffff  }
.LBB2_2:
0x45: {  	v12 =	vshrl.u32 v6, $0x10;
	[tilespmem:s29+$0xFFFFFFC0] =	vst v9;
	v9 =	vshll.u32 v10, $0x10  }
0x46: {  	v11 =	vld [tilespmem:s31+$0x30];
	s30 =	sadd.s32 $0x80, s30;
	vm9 =	vmmov vm6;
	vm5 =	vmmov vm8;
	vm7 =	vmmov vm10  }
0x47: {  	v13 =	vshrl.u32 v7, $0x10;
	v10 =	vld [tilespmem:s31+$0xFFFFFFD0];
	p1 =	slt.u32 s30, $0x1380;
	v6 =	vsel vm1, v12, v6;
	[tilespmem:s29+$0x10] =	vst v8  }
0x48: {  	v7 =	vsel vm3, v13, v7;
	v12 =	vshrl.u32 v5, $0x10;
	v8 =	vld [tilespmem:s31+$0xFFFFFFE0];
	v6 =	vshll.u32 v6, $0x10;
	[tilespmem:s29+$0x20] =	vst v9;
	s29 =	sadd.s32 $0x80, s29  }
0x49: {  	v7 =	vshll.u32 v7, $0x10;
	v5 =	vsel vm2, v12, v5;
	v12 =	vshrl.u32 v4, $0x10;
	v9 =	vld [tilespmem:s31+$0xFFFFFFF0];
	[tilespmem:s29+$0x30] =	vst v6  }
0x4a: {  	v5 =	vshll.u32 v5, $0x10;
	v12 =	vsel vm0, v12, v4;
	v4 =	vshrl.u32 v0, $0x10;
	v6 =	vld [tilespmem:s31+$0x0];
	[tilespmem:s29+$0xFFFFFFD0] =	vst v7  }
0x4b: {  	v14 =	vshrl.u32 v1, $0x10;
	v7 =	vld [tilespmem:s31+$0x10];
	vm1 =	vgt.s32 v11, $0xC7FF;
	v13 =	vadd.s32 $0xFFFF3800, v11;
	[tilespmem:s29+$0xFFFFFFE0] =	vst v5  }
0x4c: {  	vm3 =	vgt.s32 v10, $0xC7FF;
	v5 =	vadd.s32 $0xFFFF3800, v10;
	v15 =	vld [tilespmem:s31+$0x20];
	v11 =	vsel vm1, v13, v11  }
0x4d: {  	v13 =	vld [tilespmem:s31+$0xFFFFFFC0];
	v5 =	vsel vm3, v5, v10;
	vm2 =	vgt.s32 v8, $0xC7FF;
	v10 =	vadd.s32 $0xFFFF3800, v8  }
0x4e: {  	v8 =	vsel vm2, v10, v8;
	vm0 =	vgt.s32 v9, $0xC7FF;
	v10 =	vadd.s32 $0xFFFF3800, v9;
	v16 =	vld.idx.msk [tilespmem:v3+s19+$0x0], $0xffff  }
0x4f: {  	v9 =	vsel vm0, v10, v9;
	vm11 =	vgt.s32 v6, $0xC7FF;
	v3 =	vadd.s32 $0xFFFF3800, v6;
	v10 =	vld.idx.msk [tilespmem:v2+s19+$0x0], $0xffff  }
0x50: {  	v17 =	vsel vm11, v3, v6;
	vm6 =	vgt.s32 v7, $0xC7FF;
	v2 =	vadd.s32 $0xFFFF3800, v7  }
0x51: {  	v18 =	vsel vm6, v2, v7;
	vm8 =	vgt.s32 v15, $0xC7FF;
	v2 =	vadd.s32 $0xFFFF3800, v15;
	v6 =	vld.idx.msk [tilespmem:v11+s19+$0x0], $0xffff  }
.Ltmp0:
0x52: {  	vm10 =	vgt.s32 v13, $0xC7FF;
	v3 =	vadd.s32 $0xFFFF3800, v13;
	v7 =	vld.idx.msk [tilespmem:v5+s19+$0x0], $0xffff;
	v2 =	vsel vm8, v2, v15;
	(pc) =	sbr.rel @p1 .LBB2_2-.Ltmp0, $4  }
0x53: {  	v0 =	vsel vm4, v4, v0;
	v1 =	vsel vm9, v14, v1;
	v3 =	vsel vm10, v3, v13;
	v5 =	vld.idx.msk [tilespmem:v8+s19+$0x0], $0xffff  }
0x54: {  	v11 =	vshll.u32 v0, $0x10;
	v8 =	vshrl.u32 v16, $0x10;
	v4 =	vld.idx.msk [tilespmem:v9+s19+$0x0], $0xffff;
	v9 =	vshll.u32 v12, $0x10  }
0x55: {  	v12 =	vsel vm7, v8, v16;
	v8 =	vshll.u32 v1, $0x10;
	v13 =	vshrl.u32 v10, $0x10;
	v0 =	vld.idx.msk [tilespmem:v17+s19+$0x0], $0xffff;
	[tilespmem:s29+$0xFFFFFFF0] =	vst v9  }
0x56: {  	s31 =	sadd.s32 $0x80, s31;
	vm4 =	vmmov vm11;
	v9 =	vshll.u32 v12, $0x10;
	v10 =	vsel vm5, v13, v10;
	v1 =	vld.idx.msk [tilespmem:v18+s19+$0x0], $0xffff;
	[tilespmem:s29+$0x0] =	vst v11  }
0x57: {  	_ =	sdelay $0x1  }
0x58: {  	v11 =	vshrl.u32 v6, $0x10  }
0x59: {  	[tilespmem:s29+$0xFFFFFFC0] =	vst v9;
	v9 =	vshll.u32 v10, $0x10;
	vm6 =	vmmov vm6;
	vm5 =	vmmov vm8  }
0x5a: {  	v3 =	vld.idx.msk [tilespmem:v3+s19+$0x0], $0xffff;
	vm7 =	vmmov vm10;
	v10 =	vshrl.u32 v7, $0x10;
	[tilespmem:s29+$0x10] =	vst v8;
	v6 =	vsel vm1, v11, v6  }
0x5b: {  	v2 =	vld.idx.msk [tilespmem:v2+s19+$0x0], $0xffff;
	v7 =	vsel vm3, v10, v7;
	v8 =	vshrl.u32 v5, $0x10;
	[tilespmem:s29+$0x20] =	vst v9;
	s29 =	sadd.s32 $0x80, s29;
	v6 =	vshll.u32 v6, $0x10  }
0x5c: {  	v7 =	vshll.u32 v7, $0x10;
	v5 =	vsel vm2, v8, v5;
	v8 =	vshrl.u32 v4, $0x10;
	[tilespmem:s29+$0x30] =	vst v6  }
0x5d: {  	[tilespmem:s29+$0xFFFFFFD0] =	vst v7;
	v5 =	vshll.u32 v5, $0x10;
	v4 =	vsel vm0, v8, v4;
	v6 =	vshrl.u32 v0, $0x10  }
0x5e: {  	[tilespmem:s29+$0xFFFFFFE0] =	vst v5;
	v0 =	vsel vm4, v6, v0;
	v4 =	vshll.u32 v4, $0x10;
	v6 =	vshrl.u32 v1, $0x10  }
0x5f: {  	v5 =	vshrl.u32 v3, $0x10;
	v0 =	vshll.u32 v0, $0x10;
	[tilespmem:s29+$0xFFFFFFF0] =	vst v4;
	v1 =	vsel vm6, v6, v1  }
0x60: {  	v4 =	vshrl.u32 v2, $0x10;
	v3 =	vsel vm7, v5, v3;
	[tilespmem:s29+$0x0] =	vst v0;
	v0 =	vshll.u32 v1, $0x10  }
0x61: {  	v1 =	vsel vm5, v4, v2;
	v3 =	vshll.u32 v3, $0x10;
	[tilespmem:s29+$0x10] =	vst v0  }
0x62: {  	v1 =	vshll.u32 v1, $0x10;
	[tilespmem:s29+$0xFFFFFFC0] =	vst v3  }
0x63: {  	[tilespmem:s29+$0x20] =	vst v1  }
0x64: {  	[hbm4b:s6+s15] =	stream.strided.scatter [tilespmem:s23], [sflag:$0x4], $0x1400, s16, s15, $0x38;
	[tilespmem:$0x12480] =	vst v63  }
0x65: {  	_ = 	snop  }
0x66: {  	[tilespmem:s17], [sflag:$0x2] =	stream.strided.gather [hbm4b:s7+s15], $0x1400, s16, s15, $0x38;
	[tilespmem:$0x12480] =	vst v63  }
0x67: {  	_ =	swait.ge [sflag:s24], $0x1400  }
0x68: {  	[sflag:s24] =	ssyncset.done $0x0  }
0x69: {  	s29 =	simm.s32 $0xE8C0;
	[sflag:s24] =	ssyncadd.s32 $0xFFFFEC00  }
0x6a: {  	v0 =	vld [tilespmem:s29+$0x30]  }
0x6b: {  	v1 =	vld [tilespmem:s29+$0xFFFFFFD0]  }
0x6c: {  	v2 =	vld [tilespmem:s29+$0xFFFFFFE0];
	_ =	sdelay $0x1  }
0x6d: {  	v3 =	vld [tilespmem:s29+$0xFFFFFFF0]  }
0x6e: {  	v4 =	vld [tilespmem:s29+$0x0]  }
0x6f: {  	v5 =	vld [tilespmem:s29+$0x10];
	vm2 =	vgt.s32 v0, $0xC7FF;
	v6 =	vadd.s32 $0xFFFF3800, v0  }
0x70: {  	v8 =	vld [tilespmem:s29+$0xFFFFFFC0];
	vm3 =	vgt.s32 v1, $0xC7FF;
	v7 =	vadd.s32 $0xFFFF3800, v1;
	vm1 =	vgt.s32 v2, $0xC7FF  }
0x71: {  	v0 =	vsel vm2, v6, v0;
	v1 =	vsel vm3, v7, v1;
	v6 =	vadd.s32 $0xFFFF3800, v2;
	v7 =	vld [tilespmem:s29+$0x20];
	s29 =	simm.s32 $0xE940  }
0x72: {  	vm0 =	vgt.s32 v3, $0xC7FF;
	v2 =	vsel vm1, v6, v2;
	v6 =	vadd.s32 $0xFFFF3800, v3;
	v10 =	vld [tilespmem:s29+$0xFFFFFFD0]  }
0x73: {  	vm4 =	vgt.s32 v4, $0xC7FF;
	v12 =	vld [tilespmem:s29+$0xFFFFFFF0];
	v3 =	vsel vm0, v6, v3;
	v6 =	vadd.s32 $0xFFFF3800, v4  }
0x74: {  	vm5 =	vgt.s32 v5, $0xC7FF;
	v13 =	vld [tilespmem:s29+$0x0];
	v4 =	vsel vm4, v6, v4;
	v6 =	vadd.s32 $0xFFFF3800, v5  }
0x75: {  	v18 =	vld [tilespmem:s29+$0x20];
	v5 =	vsel vm5, v6, v5  }
0x76: {  	v0 =	vld.idx.msk [tilespmem:v0+s19+$0x0], $0xffff  }
0x77: {  	vm8 =	vgt.s32 v8, $0xC7FF;
	v1 =	vld.idx.msk [tilespmem:v1+s19+$0x0], $0xffff  }
0x78: {  	v9 =	vadd.s32 $0xFFFF3800, v8;
	vm6 =	vgt.s32 v7, $0xC7FF;
	v6 =	vadd.s32 $0xFFFF3800, v7;
	v2 =	vld.idx.msk [tilespmem:v2+s19+$0x0], $0xffff  }
0x79: {  	vm7 =	vmmov vm4;
	v6 =	vsel vm6, v6, v7;
	v7 =	vsel vm8, v9, v8;
	v3 =	vld.idx.msk [tilespmem:v3+s19+$0x0], $0xffff  }
0x7a: {  	vm9 =	vmmov vm5;
	vm5 =	vmmov vm8;
	vm4 =	vmmov vm6;
	v8 =	vld.idx.msk [tilespmem:v5+s19+$0x0], $0xffff  }
0x7b: {  	v17 =	vadd.s32 $0xFFFF3800, v10;
	v61 =	vadd.s32 $0xFFFF3800, v12;
	vm11 =	vgt.s32 v13, $0xC7FF;
	v5 =	vld [tilespmem:s29+$0x30]  }
0x7c: {  	vm8 =	vgt.s32 v18, $0xC7FF;
	v4 =	vld.idx.msk [tilespmem:v4+s19+$0x0], $0xffff;
	v9 =	vshrl.u32 v0, $0x10;
	v11 =	vshrl.u32 v1, $0x10  }
0x7d: {  	v0 =	vsel vm2, v9, v0;
	v9 =	vld [tilespmem:s29+$0xFFFFFFE0];
	v1 =	vsel vm3, v11, v1;
	v11 =	vshrl.u32 v2, $0x10  }
0x7e: {  	vm3 =	vgt.s32 v10, $0xC7FF;
	v19 =	vld.idx.msk [tilespmem:v7+s19+$0x0], $0xffff;
	v7 =	vadd.s32 $0xFFFF3800, v13;
	v2 =	vsel vm1, v11, v2  }
0x7f: {  	v11 =	vshrl.u32 v3, $0x10;
	v10 =	vsel vm3, v17, v10;
	v14 =	vshll.u32 v2, $0x10;
	v2 =	vld [tilespmem:s29+$0x10]  }
0x80: {  	v11 =	vsel vm0, v11, v3;
	vm1 =	vgt.s32 v5, $0xC7FF;
	v3 =	vadd.s32 $0xFFFF3800, v5  }
0x81: {  	v0 =	vshll.u32 v0, $0x10;
	vm0 =	vgt.s32 v12, $0xC7FF;
	v3 =	vsel vm1, v3, v5;
	v5 =	vld [tilespmem:s29+$0xFFFFFFC0]  }
0x82: {  	v12 =	vsel vm0, v61, v12;
	vm2 =	vgt.s32 v9, $0xC7FF;
	v60 =	vadd.s32 $0xFFFF3800, v9  }
0x83: {  	v62 =	vld.idx.msk [tilespmem:v6+s19+$0x0], $0xffff;
	v1 =	vshll.u32 v1, $0x10;
	v13 =	vsel vm11, v7, v13;
	v9 =	vsel vm2, v60, v9  }
0x84: {  	v15 =	vshrl.u32 v4, $0x10;
	s29 =	simm.s32 $0x110C0;
	vm6 =	vgt.s32 v2, $0xC7FF;
	v6 =	vadd.s32 $0xFFFF3800, v2  }
0x85: {  	v16 =	vshrl.u32 v8, $0x10;
	[tilespmem:s29+$0x30] =	vst v0;
	v0 =	vadd.s32 $0xFFFF3800, v18;
	v7 =	vld.idx.msk [tilespmem:v10+s19+$0x0], $0xffff;
	v20 =	vsel vm6, v6, v2  }
0x86: {  	[tilespmem:s29+$0xFFFFFFD0] =	vst v1;
	v2 =	vsel vm8, v0, v18;
	v6 =	vld.idx.msk [tilespmem:v3+s19+$0x0], $0xffff;
	vm10 =	vgt.s32 v5, $0xC7FF;
	v0 =	vadd.s32 $0xFFFF3800, v5  }
0x87: {  	v1 =	vsel vm9, v16, v8;
	v3 =	vsel vm10, v0, v5;
	v0 =	vsel vm7, v15, v4;
	v4 =	vld.idx.msk [tilespmem:v12+s19+$0x0], $0xffff  }
0x88: {  	[tilespmem:s29+$0xFFFFFFE0] =	vst v14;
	v8 =	vshrl.u32 v19, $0x10;
	v63 =	vshrl.u32 v62, $0x10;
	v5 =	vld.idx.msk [tilespmem:v9+s19+$0x0], $0xffff;
	v9 =	vshll.u32 v11, $0x10  }
0x89: {  	v10 =	vshll.u32 v0, $0x10;
	v0 =	vld.idx.msk [tilespmem:v13+s19+$0x0], $0xffff;
	v11 =	vsel vm5, v8, v19;
	v8 =	vshll.u32 v1, $0x10;
	[tilespmem:s29+$0xFFFFFFF0] =	vst v9  }
0x8a: {  	s30 =	simm.s32 $0x80;
	s31 =	simm.s32 $0xE9C0;
	v9 =	vshll.u32 v11, $0x10;
	[tilespmem:s29+$0x0] =	vst v10;
	v10 =	vsel vm4, v63, v62;
	vm4 =	vmmov vm11;
	v1 =	vld.idx.msk [tilespmem:v20+s19+$0x0], $0xffff  }
.LBB2_4:
0x8b: {  	v12 =	vshrl.u32 v6, $0x10;
	[tilespmem:s29+$0xFFFFFFC0] =	vst v9;
	v9 =	vshll.u32 v10, $0x10  }
0x8c: {  	v11 =	vld [tilespmem:s31+$0x30];
	s30 =	sadd.s32 $0x80, s30;
	vm9 =	vmmov vm6;
	vm5 =	vmmov vm8;
	vm7 =	vmmov vm10  }
0x8d: {  	v13 =	vshrl.u32 v7, $0x10;
	v10 =	vld [tilespmem:s31+$0xFFFFFFD0];
	p1 =	slt.u32 s30, $0x1380;
	v6 =	vsel vm1, v12, v6;
	[tilespmem:s29+$0x10] =	vst v8  }
0x8e: {  	v7 =	vsel vm3, v13, v7;
	v12 =	vshrl.u32 v5, $0x10;
	v8 =	vld [tilespmem:s31+$0xFFFFFFE0];
	v6 =	vshll.u32 v6, $0x10;
	[tilespmem:s29+$0x20] =	vst v9;
	s29 =	sadd.s32 $0x80, s29  }
0x8f: {  	v7 =	vshll.u32 v7, $0x10;
	v5 =	vsel vm2, v12, v5;
	v12 =	vshrl.u32 v4, $0x10;
	v9 =	vld [tilespmem:s31+$0xFFFFFFF0];
	[tilespmem:s29+$0x30] =	vst v6  }
0x90: {  	v5 =	vshll.u32 v5, $0x10;
	v12 =	vsel vm0, v12, v4;
	v4 =	vshrl.u32 v0, $0x10;
	v6 =	vld [tilespmem:s31+$0x0];
	[tilespmem:s29+$0xFFFFFFD0] =	vst v7  }
0x91: {  	v14 =	vshrl.u32 v1, $0x10;
	v7 =	vld [tilespmem:s31+$0x10];
	vm1 =	vgt.s32 v11, $0xC7FF;
	v13 =	vadd.s32 $0xFFFF3800, v11;
	[tilespmem:s29+$0xFFFFFFE0] =	vst v5  }
0x92: {  	vm3 =	vgt.s32 v10, $0xC7FF;
	v5 =	vadd.s32 $0xFFFF3800, v10;
	v15 =	vld [tilespmem:s31+$0x20];
	v11 =	vsel vm1, v13, v11  }
0x93: {  	v13 =	vld [tilespmem:s31+$0xFFFFFFC0];
	v5 =	vsel vm3, v5, v10;
	vm2 =	vgt.s32 v8, $0xC7FF;
	v10 =	vadd.s32 $0xFFFF3800, v8  }
0x94: {  	v8 =	vsel vm2, v10, v8;
	vm0 =	vgt.s32 v9, $0xC7FF;
	v10 =	vadd.s32 $0xFFFF3800, v9;
	v16 =	vld.idx.msk [tilespmem:v3+s19+$0x0], $0xffff  }
0x95: {  	v9 =	vsel vm0, v10, v9;
	vm11 =	vgt.s32 v6, $0xC7FF;
	v3 =	vadd.s32 $0xFFFF3800, v6;
	v10 =	vld.idx.msk [tilespmem:v2+s19+$0x0], $0xffff  }
0x96: {  	v17 =	vsel vm11, v3, v6;
	vm6 =	vgt.s32 v7, $0xC7FF;
	v2 =	vadd.s32 $0xFFFF3800, v7  }
0x97: {  	v18 =	vsel vm6, v2, v7;
	vm8 =	vgt.s32 v15, $0xC7FF;
	v2 =	vadd.s32 $0xFFFF3800, v15;
	v6 =	vld.idx.msk [tilespmem:v11+s19+$0x0], $0xffff  }
.Ltmp1:
0x98: {  	vm10 =	vgt.s32 v13, $0xC7FF;
	v3 =	vadd.s32 $0xFFFF3800, v13;
	v7 =	vld.idx.msk [tilespmem:v5+s19+$0x0], $0xffff;
	v2 =	vsel vm8, v2, v15;
	(pc) =	sbr.rel @p1 .LBB2_4-.Ltmp1, $4  }
0x99: {  	v0 =	vsel vm4, v4, v0;
	v1 =	vsel vm9, v14, v1;
	v3 =	vsel vm10, v3, v13;
	v5 =	vld.idx.msk [tilespmem:v8+s19+$0x0], $0xffff  }
0x9a: {  	v11 =	vshll.u32 v0, $0x10;
	v8 =	vshrl.u32 v16, $0x10;
	v4 =	vld.idx.msk [tilespmem:v9+s19+$0x0], $0xffff;
	v9 =	vshll.u32 v12, $0x10  }
0x9b: {  	v12 =	vsel vm7, v8, v16;
	v8 =	vshll.u32 v1, $0x10;
	v13 =	vshrl.u32 v10, $0x10;
	v0 =	vld.idx.msk [tilespmem:v17+s19+$0x0], $0xffff;
	[tilespmem:s29+$0xFFFFFFF0] =	vst v9  }
0x9c: {  	s31 =	sadd.s32 $0x80, s31;
	vm4 =	vmmov vm11;
	v9 =	vshll.u32 v12, $0x10;
	v10 =	vsel vm5, v13, v10;
	v1 =	vld.idx.msk [tilespmem:v18+s19+$0x0], $0xffff;
	[tilespmem:s29+$0x0] =	vst v11  }
0x9d: {  	_ =	sdelay $0x1  }
0x9e: {  	v11 =	vshrl.u32 v6, $0x10  }
0x9f: {  	[tilespmem:s29+$0xFFFFFFC0] =	vst v9;
	v9 =	vshll.u32 v10, $0x10;
	vm6 =	vmmov vm6;
	vm5 =	vmmov vm8  }
0xa0: {  	v3 =	vld.idx.msk [tilespmem:v3+s19+$0x0], $0xffff;
	vm7 =	vmmov vm10;
	v10 =	vshrl.u32 v7, $0x10;
	[tilespmem:s29+$0x10] =	vst v8;
	v6 =	vsel vm1, v11, v6  }
0xa1: {  	v2 =	vld.idx.msk [tilespmem:v2+s19+$0x0], $0xffff;
	v7 =	vsel vm3, v10, v7;
	v8 =	vshrl.u32 v5, $0x10;
	[tilespmem:s29+$0x20] =	vst v9;
	s29 =	sadd.s32 $0x80, s29;
	v6 =	vshll.u32 v6, $0x10  }
0xa2: {  	v7 =	vshll.u32 v7, $0x10;
	v5 =	vsel vm2, v8, v5;
	v8 =	vshrl.u32 v4, $0x10;
	[tilespmem:s29+$0x30] =	vst v6  }
0xa3: {  	[tilespmem:s29+$0xFFFFFFD0] =	vst v7;
	v5 =	vshll.u32 v5, $0x10;
	v4 =	vsel vm0, v8, v4;
	v6 =	vshrl.u32 v0, $0x10  }
0xa4: {  	[tilespmem:s29+$0xFFFFFFE0] =	vst v5;
	v0 =	vsel vm4, v6, v0;
	v4 =	vshll.u32 v4, $0x10;
	v6 =	vshrl.u32 v1, $0x10  }
0xa5: {  	v5 =	vshrl.u32 v3, $0x10;
	v0 =	vshll.u32 v0, $0x10;
	[tilespmem:s29+$0xFFFFFFF0] =	vst v4;
	v1 =	vsel vm6, v6, v1  }
0xa6: {  	v4 =	vshrl.u32 v2, $0x10;
	v3 =	vsel vm7, v5, v3;
	[tilespmem:s29+$0x0] =	vst v0;
	v0 =	vshll.u32 v1, $0x10  }
0xa7: {  	v1 =	vsel vm5, v4, v2;
	v3 =	vshll.u32 v3, $0x10;
	[tilespmem:s29+$0x10] =	vst v0  }
0xa8: {  	v1 =	vshll.u32 v1, $0x10;
	[tilespmem:s29+$0xFFFFFFC0] =	vst v3  }
0xa9: {  	[tilespmem:s29+$0x20] =	vst v1  }
0xaa: {  	[hbm4b:s8+s15] =	stream.strided.scatter [tilespmem:s25], [sflag:$0x5], $0x1400, s16, s15, $0x38;
	[tilespmem:$0x12480] =	vst v63  }
0xab: {  	_ = 	snop  }
0xac: {  	[tilespmem:s21], [sflag:$0x3] =	stream.strided.gather [hbm4b:s9+s15], $0x1400, s16, s15, $0x38;
	[tilespmem:$0x12480] =	vst v63  }
0xad: {  	_ =	swait.ge [sflag:s22], $0x1400  }
0xae: {  	[sflag:s22] =	ssyncset.done $0x0  }
0xaf: {  	[sflag:s22] =	ssyncadd.s32 $0xFFFFEC00  }
0xb0: {  	_ =	swait.ge [sflag:s26], $0x1400  }
0xb1: {  	[sflag:s26] =	ssyncset.done $0x0  }
0xb2: {  	s29 =	simm.s32 $0xD4C0;
	[sflag:s26] =	ssyncadd.s32 $0xFFFFEC00  }
0xb3: {  	v0 =	vld [tilespmem:s29+$0x30]  }
0xb4: {  	v1 =	vld [tilespmem:s29+$0xFFFFFFD0]  }
0xb5: {  	v2 =	vld [tilespmem:s29+$0xFFFFFFE0];
	_ =	sdelay $0x1  }
0xb6: {  	v3 =	vld [tilespmem:s29+$0xFFFFFFF0]  }
0xb7: {  	v4 =	vld [tilespmem:s29+$0x0]  }
0xb8: {  	v5 =	vld [tilespmem:s29+$0x10];
	vm2 =	vgt.s32 v0, $0xC7FF;
	v6 =	vadd.s32 $0xFFFF3800, v0  }
0xb9: {  	v8 =	vld [tilespmem:s29+$0xFFFFFFC0];
	vm3 =	vgt.s32 v1, $0xC7FF;
	v7 =	vadd.s32 $0xFFFF3800, v1;
	vm1 =	vgt.s32 v2, $0xC7FF  }
0xba: {  	v0 =	vsel vm2, v6, v0;
	v1 =	vsel vm3, v7, v1;
	v6 =	vadd.s32 $0xFFFF3800, v2;
	v7 =	vld [tilespmem:s29+$0x20];
	s29 =	simm.s32 $0xD540  }
0xbb: {  	vm0 =	vgt.s32 v3, $0xC7FF;
	v2 =	vsel vm1, v6, v2;
	v6 =	vadd.s32 $0xFFFF3800, v3;
	v10 =	vld [tilespmem:s29+$0xFFFFFFD0]  }
0xbc: {  	vm4 =	vgt.s32 v4, $0xC7FF;
	v12 =	vld [tilespmem:s29+$0xFFFFFFF0];
	v3 =	vsel vm0, v6, v3;
	v6 =	vadd.s32 $0xFFFF3800, v4  }
0xbd: {  	vm5 =	vgt.s32 v5, $0xC7FF;
	v13 =	vld [tilespmem:s29+$0x0];
	v4 =	vsel vm4, v6, v4;
	v6 =	vadd.s32 $0xFFFF3800, v5  }
0xbe: {  	v18 =	vld [tilespmem:s29+$0x20];
	v5 =	vsel vm5, v6, v5  }
0xbf: {  	v0 =	vld.idx.msk [tilespmem:v0+s19+$0x0], $0xffff  }
0xc0: {  	vm8 =	vgt.s32 v8, $0xC7FF;
	v1 =	vld.idx.msk [tilespmem:v1+s19+$0x0], $0xffff  }
0xc1: {  	v9 =	vadd.s32 $0xFFFF3800, v8;
	vm6 =	vgt.s32 v7, $0xC7FF;
	v6 =	vadd.s32 $0xFFFF3800, v7;
	v2 =	vld.idx.msk [tilespmem:v2+s19+$0x0], $0xffff  }
0xc2: {  	vm7 =	vmmov vm4;
	v6 =	vsel vm6, v6, v7;
	v7 =	vsel vm8, v9, v8;
	v3 =	vld.idx.msk [tilespmem:v3+s19+$0x0], $0xffff  }
0xc3: {  	vm9 =	vmmov vm5;
	vm5 =	vmmov vm8;
	vm4 =	vmmov vm6;
	v8 =	vld.idx.msk [tilespmem:v5+s19+$0x0], $0xffff  }
0xc4: {  	v17 =	vadd.s32 $0xFFFF3800, v10;
	v61 =	vadd.s32 $0xFFFF3800, v12;
	vm11 =	vgt.s32 v13, $0xC7FF;
	v5 =	vld [tilespmem:s29+$0x30]  }
0xc5: {  	vm8 =	vgt.s32 v18, $0xC7FF;
	v4 =	vld.idx.msk [tilespmem:v4+s19+$0x0], $0xffff;
	v9 =	vshrl.u32 v0, $0x10;
	v11 =	vshrl.u32 v1, $0x10  }
0xc6: {  	v0 =	vsel vm2, v9, v0;
	v9 =	vld [tilespmem:s29+$0xFFFFFFE0];
	v1 =	vsel vm3, v11, v1;
	v11 =	vshrl.u32 v2, $0x10  }
0xc7: {  	vm3 =	vgt.s32 v10, $0xC7FF;
	v19 =	vld.idx.msk [tilespmem:v7+s19+$0x0], $0xffff;
	v7 =	vadd.s32 $0xFFFF3800, v13;
	v2 =	vsel vm1, v11, v2  }
0xc8: {  	v11 =	vshrl.u32 v3, $0x10;
	v10 =	vsel vm3, v17, v10;
	v14 =	vshll.u32 v2, $0x10;
	v2 =	vld [tilespmem:s29+$0x10]  }
0xc9: {  	v11 =	vsel vm0, v11, v3;
	vm1 =	vgt.s32 v5, $0xC7FF;
	v3 =	vadd.s32 $0xFFFF3800, v5  }
0xca: {  	v0 =	vshll.u32 v0, $0x10;
	vm0 =	vgt.s32 v12, $0xC7FF;
	v3 =	vsel vm1, v3, v5;
	v5 =	vld [tilespmem:s29+$0xFFFFFFC0]  }
0xcb: {  	v12 =	vsel vm0, v61, v12;
	vm2 =	vgt.s32 v9, $0xC7FF;
	v60 =	vadd.s32 $0xFFFF3800, v9  }
0xcc: {  	v62 =	vld.idx.msk [tilespmem:v6+s19+$0x0], $0xffff;
	v1 =	vshll.u32 v1, $0x10;
	v13 =	vsel vm11, v7, v13;
	v9 =	vsel vm2, v60, v9  }
0xcd: {  	v15 =	vshrl.u32 v4, $0x10;
	s29 =	simm.s32 $0xFCC0;
	vm6 =	vgt.s32 v2, $0xC7FF;
	v6 =	vadd.s32 $0xFFFF3800, v2  }
0xce: {  	v16 =	vshrl.u32 v8, $0x10;
	[tilespmem:s29+$0x30] =	vst v0;
	v0 =	vadd.s32 $0xFFFF3800, v18;
	v7 =	vld.idx.msk [tilespmem:v10+s19+$0x0], $0xffff;
	v20 =	vsel vm6, v6, v2  }
0xcf: {  	[tilespmem:s29+$0xFFFFFFD0] =	vst v1;
	v2 =	vsel vm8, v0, v18;
	v6 =	vld.idx.msk [tilespmem:v3+s19+$0x0], $0xffff;
	vm10 =	vgt.s32 v5, $0xC7FF;
	v0 =	vadd.s32 $0xFFFF3800, v5  }
0xd0: {  	v1 =	vsel vm9, v16, v8;
	v3 =	vsel vm10, v0, v5;
	v0 =	vsel vm7, v15, v4;
	v4 =	vld.idx.msk [tilespmem:v12+s19+$0x0], $0xffff  }
0xd1: {  	[tilespmem:s29+$0xFFFFFFE0] =	vst v14;
	v8 =	vshrl.u32 v19, $0x10;
	v63 =	vshrl.u32 v62, $0x10;
	v5 =	vld.idx.msk [tilespmem:v9+s19+$0x0], $0xffff;
	v9 =	vshll.u32 v11, $0x10  }
0xd2: {  	v10 =	vshll.u32 v0, $0x10;
	v0 =	vld.idx.msk [tilespmem:v13+s19+$0x0], $0xffff;
	v11 =	vsel vm5, v8, v19;
	v8 =	vshll.u32 v1, $0x10;
	[tilespmem:s29+$0xFFFFFFF0] =	vst v9  }
0xd3: {  	s30 =	simm.s32 $0x80;
	s31 =	simm.s32 $0xD5C0;
	v9 =	vshll.u32 v11, $0x10;
	[tilespmem:s29+$0x0] =	vst v10;
	v10 =	vsel vm4, v63, v62;
	vm4 =	vmmov vm11;
	v1 =	vld.idx.msk [tilespmem:v20+s19+$0x0], $0xffff  }
.LBB2_6:
0xd4: {  	v12 =	vshrl.u32 v6, $0x10;
	[tilespmem:s29+$0xFFFFFFC0] =	vst v9;
	v9 =	vshll.u32 v10, $0x10  }
0xd5: {  	v11 =	vld [tilespmem:s31+$0x30];
	s30 =	sadd.s32 $0x80, s30;
	vm9 =	vmmov vm6;
	vm5 =	vmmov vm8;
	vm7 =	vmmov vm10  }
0xd6: {  	v13 =	vshrl.u32 v7, $0x10;
	v10 =	vld [tilespmem:s31+$0xFFFFFFD0];
	p1 =	slt.u32 s30, $0x1380;
	v6 =	vsel vm1, v12, v6;
	[tilespmem:s29+$0x10] =	vst v8  }
0xd7: {  	v7 =	vsel vm3, v13, v7;
	v12 =	vshrl.u32 v5, $0x10;
	v8 =	vld [tilespmem:s31+$0xFFFFFFE0];
	v6 =	vshll.u32 v6, $0x10;
	[tilespmem:s29+$0x20] =	vst v9;
	s29 =	sadd.s32 $0x80, s29  }
0xd8: {  	v7 =	vshll.u32 v7, $0x10;
	v5 =	vsel vm2, v12, v5;
	v12 =	vshrl.u32 v4, $0x10;
	v9 =	vld [tilespmem:s31+$0xFFFFFFF0];
	[tilespmem:s29+$0x30] =	vst v6  }
0xd9: {  	v5 =	vshll.u32 v5, $0x10;
	v12 =	vsel vm0, v12, v4;
	v4 =	vshrl.u32 v0, $0x10;
	v6 =	vld [tilespmem:s31+$0x0];
	[tilespmem:s29+$0xFFFFFFD0] =	vst v7  }
0xda: {  	v14 =	vshrl.u32 v1, $0x10;
	v7 =	vld [tilespmem:s31+$0x10];
	vm1 =	vgt.s32 v11, $0xC7FF;
	v13 =	vadd.s32 $0xFFFF3800, v11;
	[tilespmem:s29+$0xFFFFFFE0] =	vst v5  }
0xdb: {  	vm3 =	vgt.s32 v10, $0xC7FF;
	v5 =	vadd.s32 $0xFFFF3800, v10;
	v15 =	vld [tilespmem:s31+$0x20];
	v11 =	vsel vm1, v13, v11  }
0xdc: {  	v13 =	vld [tilespmem:s31+$0xFFFFFFC0];
	v5 =	vsel vm3, v5, v10;
	vm2 =	vgt.s32 v8, $0xC7FF;
	v10 =	vadd.s32 $0xFFFF3800, v8  }
0xdd: {  	v8 =	vsel vm2, v10, v8;
	vm0 =	vgt.s32 v9, $0xC7FF;
	v10 =	vadd.s32 $0xFFFF3800, v9;
	v16 =	vld.idx.msk [tilespmem:v3+s19+$0x0], $0xffff  }
0xde: {  	v9 =	vsel vm0, v10, v9;
	vm11 =	vgt.s32 v6, $0xC7FF;
	v3 =	vadd.s32 $0xFFFF3800, v6;
	v10 =	vld.idx.msk [tilespmem:v2+s19+$0x0], $0xffff  }
0xdf: {  	v17 =	vsel vm11, v3, v6;
	vm6 =	vgt.s32 v7, $0xC7FF;
	v2 =	vadd.s32 $0xFFFF3800, v7  }
0xe0: {  	v18 =	vsel vm6, v2, v7;
	vm8 =	vgt.s32 v15, $0xC7FF;
	v2 =	vadd.s32 $0xFFFF3800, v15;
	v6 =	vld.idx.msk [tilespmem:v11+s19+$0x0], $0xffff  }
.Ltmp2:
0xe1: {  	vm10 =	vgt.s32 v13, $0xC7FF;
	v3 =	vadd.s32 $0xFFFF3800, v13;
	v7 =	vld.idx.msk [tilespmem:v5+s19+$0x0], $0xffff;
	v2 =	vsel vm8, v2, v15;
	(pc) =	sbr.rel @p1 .LBB2_6-.Ltmp2, $4  }
0xe2: {  	v0 =	vsel vm4, v4, v0;
	v1 =	vsel vm9, v14, v1;
	v3 =	vsel vm10, v3, v13;
	v5 =	vld.idx.msk [tilespmem:v8+s19+$0x0], $0xffff  }
0xe3: {  	v11 =	vshll.u32 v0, $0x10;
	v8 =	vshrl.u32 v16, $0x10;
	v4 =	vld.idx.msk [tilespmem:v9+s19+$0x0], $0xffff;
	v9 =	vshll.u32 v12, $0x10  }
0xe4: {  	v12 =	vsel vm7, v8, v16;
	v8 =	vshll.u32 v1, $0x10;
	v13 =	vshrl.u32 v10, $0x10;
	v0 =	vld.idx.msk [tilespmem:v17+s19+$0x0], $0xffff;
	[tilespmem:s29+$0xFFFFFFF0] =	vst v9  }
0xe5: {  	s31 =	sadd.s32 $0x80, s31;
	vm4 =	vmmov vm11;
	v9 =	vshll.u32 v12, $0x10;
	v10 =	vsel vm5, v13, v10;
	v1 =	vld.idx.msk [tilespmem:v18+s19+$0x0], $0xffff;
	[tilespmem:s29+$0x0] =	vst v11  }
0xe6: {  	_ =	sdelay $0x1  }
0xe7: {  	v11 =	vshrl.u32 v6, $0x10  }
0xe8: {  	[tilespmem:s29+$0xFFFFFFC0] =	vst v9;
	v9 =	vshll.u32 v10, $0x10;
	vm6 =	vmmov vm6;
	vm5 =	vmmov vm8  }
0xe9: {  	v3 =	vld.idx.msk [tilespmem:v3+s19+$0x0], $0xffff;
	vm7 =	vmmov vm10;
	v10 =	vshrl.u32 v7, $0x10;
	[tilespmem:s29+$0x10] =	vst v8;
	v6 =	vsel vm1, v11, v6  }
0xea: {  	v2 =	vld.idx.msk [tilespmem:v2+s19+$0x0], $0xffff;
	v7 =	vsel vm3, v10, v7;
	v8 =	vshrl.u32 v5, $0x10;
	[tilespmem:s29+$0x20] =	vst v9;
	s29 =	sadd.s32 $0x80, s29;
	v6 =	vshll.u32 v6, $0x10  }
0xeb: {  	v7 =	vshll.u32 v7, $0x10;
	v5 =	vsel vm2, v8, v5;
	v8 =	vshrl.u32 v4, $0x10;
	[tilespmem:s29+$0x30] =	vst v6  }
0xec: {  	[tilespmem:s29+$0xFFFFFFD0] =	vst v7;
	v5 =	vshll.u32 v5, $0x10;
	v4 =	vsel vm0, v8, v4;
	v6 =	vshrl.u32 v0, $0x10  }
0xed: {  	[tilespmem:s29+$0xFFFFFFE0] =	vst v5;
	v0 =	vsel vm4, v6, v0;
	v4 =	vshll.u32 v4, $0x10;
	v6 =	vshrl.u32 v1, $0x10  }
0xee: {  	v5 =	vshrl.u32 v3, $0x10;
	v0 =	vshll.u32 v0, $0x10;
	[tilespmem:s29+$0xFFFFFFF0] =	vst v4;
	v1 =	vsel vm6, v6, v1  }
0xef: {  	v4 =	vshrl.u32 v2, $0x10;
	v3 =	vsel vm7, v5, v3;
	[tilespmem:s29+$0x0] =	vst v0;
	v0 =	vshll.u32 v1, $0x10  }
0xf0: {  	v1 =	vsel vm5, v4, v2;
	v3 =	vshll.u32 v3, $0x10;
	[tilespmem:s29+$0x10] =	vst v0  }
0xf1: {  	v1 =	vshll.u32 v1, $0x10;
	[tilespmem:s29+$0xFFFFFFC0] =	vst v3  }
0xf2: {  	[tilespmem:s29+$0x20] =	vst v1  }
0xf3: {  	[hbm4b:s10+s15] =	stream.strided.scatter [tilespmem:s23], [sflag:$0x4], $0x1400, s16, s15, $0x38;
	[tilespmem:$0x12480] =	vst v63  }
0xf4: {  	_ = 	snop  }
0xf5: {  	[tilespmem:s17], [sflag:$0x2] =	stream.strided.gather [hbm4b:s11+s15], $0x1400, s16, s15, $0x38;
	[tilespmem:$0x12480] =	vst v63  }
0xf6: {  	_ =	swait.ge [sflag:s24], $0x1400  }
0xf7: {  	[sflag:s24] =	ssyncset.done $0x0  }
0xf8: {  	[sflag:s24] =	ssyncadd.s32 $0xFFFFEC00  }
0xf9: {  	_ =	swait.ge [sflag:s28], $0x1400  }
0xfa: {  	[sflag:s28] =	ssyncset.done $0x0  }
0xfb: {  	s29 =	simm.s32 $0xE8C0;
	[sflag:s28] =	ssyncadd.s32 $0xFFFFEC00  }
0xfc: {  	v0 =	vld [tilespmem:s29+$0x30]  }
0xfd: {  	v1 =	vld [tilespmem:s29+$0xFFFFFFD0]  }
0xfe: {  	v2 =	vld [tilespmem:s29+$0xFFFFFFE0];
	_ =	sdelay $0x1  }
0xff: {  	v3 =	vld [tilespmem:s29+$0xFFFFFFF0]  }
0x100: {  	v4 =	vld [tilespmem:s29+$0x0]  }
0x101: {  	v5 =	vld [tilespmem:s29+$0x10];
	vm2 =	vgt.s32 v0, $0xC7FF;
	v6 =	vadd.s32 $0xFFFF3800, v0  }
0x102: {  	v8 =	vld [tilespmem:s29+$0xFFFFFFC0];
	vm3 =	vgt.s32 v1, $0xC7FF;
	v7 =	vadd.s32 $0xFFFF3800, v1;
	vm1 =	vgt.s32 v2, $0xC7FF  }
0x103: {  	v0 =	vsel vm2, v6, v0;
	v1 =	vsel vm3, v7, v1;
	v6 =	vadd.s32 $0xFFFF3800, v2;
	v7 =	vld [tilespmem:s29+$0x20];
	s29 =	simm.s32 $0xE940  }
0x104: {  	vm0 =	vgt.s32 v3, $0xC7FF;
	v2 =	vsel vm1, v6, v2;
	v6 =	vadd.s32 $0xFFFF3800, v3;
	v10 =	vld [tilespmem:s29+$0xFFFFFFD0]  }
0x105: {  	vm4 =	vgt.s32 v4, $0xC7FF;
	v12 =	vld [tilespmem:s29+$0xFFFFFFF0];
	v3 =	vsel vm0, v6, v3;
	v6 =	vadd.s32 $0xFFFF3800, v4  }
0x106: {  	vm5 =	vgt.s32 v5, $0xC7FF;
	v13 =	vld [tilespmem:s29+$0x0];
	v4 =	vsel vm4, v6, v4;
	v6 =	vadd.s32 $0xFFFF3800, v5  }
0x107: {  	v18 =	vld [tilespmem:s29+$0x20];
	v5 =	vsel vm5, v6, v5  }
0x108: {  	v0 =	vld.idx.msk [tilespmem:v0+s19+$0x0], $0xffff  }
0x109: {  	vm8 =	vgt.s32 v8, $0xC7FF;
	v1 =	vld.idx.msk [tilespmem:v1+s19+$0x0], $0xffff  }
0x10a: {  	v9 =	vadd.s32 $0xFFFF3800, v8;
	vm6 =	vgt.s32 v7, $0xC7FF;
	v6 =	vadd.s32 $0xFFFF3800, v7;
	v2 =	vld.idx.msk [tilespmem:v2+s19+$0x0], $0xffff  }
0x10b: {  	vm7 =	vmmov vm4;
	v6 =	vsel vm6, v6, v7;
	v7 =	vsel vm8, v9, v8;
	v3 =	vld.idx.msk [tilespmem:v3+s19+$0x0], $0xffff  }
0x10c: {  	vm9 =	vmmov vm5;
	vm5 =	vmmov vm8;
	vm4 =	vmmov vm6;
	v8 =	vld.idx.msk [tilespmem:v5+s19+$0x0], $0xffff  }
0x10d: {  	v17 =	vadd.s32 $0xFFFF3800, v10;
	v61 =	vadd.s32 $0xFFFF3800, v12;
	vm11 =	vgt.s32 v13, $0xC7FF;
	v5 =	vld [tilespmem:s29+$0x30]  }
0x10e: {  	vm8 =	vgt.s32 v18, $0xC7FF;
	v4 =	vld.idx.msk [tilespmem:v4+s19+$0x0], $0xffff;
	v9 =	vshrl.u32 v0, $0x10;
	v11 =	vshrl.u32 v1, $0x10  }
0x10f: {  	v0 =	vsel vm2, v9, v0;
	v9 =	vld [tilespmem:s29+$0xFFFFFFE0];
	v1 =	vsel vm3, v11, v1;
	v11 =	vshrl.u32 v2, $0x10  }
0x110: {  	vm3 =	vgt.s32 v10, $0xC7FF;
	v19 =	vld.idx.msk [tilespmem:v7+s19+$0x0], $0xffff;
	v7 =	vadd.s32 $0xFFFF3800, v13;
	v2 =	vsel vm1, v11, v2  }
0x111: {  	v11 =	vshrl.u32 v3, $0x10;
	v10 =	vsel vm3, v17, v10;
	v14 =	vshll.u32 v2, $0x10;
	v2 =	vld [tilespmem:s29+$0x10]  }
0x112: {  	v11 =	vsel vm0, v11, v3;
	vm1 =	vgt.s32 v5, $0xC7FF;
	v3 =	vadd.s32 $0xFFFF3800, v5  }
0x113: {  	v0 =	vshll.u32 v0, $0x10;
	vm0 =	vgt.s32 v12, $0xC7FF;
	v3 =	vsel vm1, v3, v5;
	v5 =	vld [tilespmem:s29+$0xFFFFFFC0]  }
0x114: {  	v12 =	vsel vm0, v61, v12;
	vm2 =	vgt.s32 v9, $0xC7FF;
	v60 =	vadd.s32 $0xFFFF3800, v9  }
0x115: {  	v62 =	vld.idx.msk [tilespmem:v6+s19+$0x0], $0xffff;
	v1 =	vshll.u32 v1, $0x10;
	v13 =	vsel vm11, v7, v13;
	v9 =	vsel vm2, v60, v9  }
0x116: {  	v15 =	vshrl.u32 v4, $0x10;
	s29 =	simm.s32 $0x110C0;
	vm6 =	vgt.s32 v2, $0xC7FF;
	v6 =	vadd.s32 $0xFFFF3800, v2  }
0x117: {  	v16 =	vshrl.u32 v8, $0x10;
	[tilespmem:s29+$0x30] =	vst v0;
	v0 =	vadd.s32 $0xFFFF3800, v18;
	v7 =	vld.idx.msk [tilespmem:v10+s19+$0x0], $0xffff;
	v20 =	vsel vm6, v6, v2  }
0x118: {  	[tilespmem:s29+$0xFFFFFFD0] =	vst v1;
	v2 =	vsel vm8, v0, v18;
	v6 =	vld.idx.msk [tilespmem:v3+s19+$0x0], $0xffff;
	vm10 =	vgt.s32 v5, $0xC7FF;
	v0 =	vadd.s32 $0xFFFF3800, v5  }
0x119: {  	v1 =	vsel vm9, v16, v8;
	v3 =	vsel vm10, v0, v5;
	v0 =	vsel vm7, v15, v4;
	v4 =	vld.idx.msk [tilespmem:v12+s19+$0x0], $0xffff  }
0x11a: {  	[tilespmem:s29+$0xFFFFFFE0] =	vst v14;
	v8 =	vshrl.u32 v19, $0x10;
	v63 =	vshrl.u32 v62, $0x10;
	v5 =	vld.idx.msk [tilespmem:v9+s19+$0x0], $0xffff;
	v9 =	vshll.u32 v11, $0x10  }
0x11b: {  	v10 =	vshll.u32 v0, $0x10;
	v0 =	vld.idx.msk [tilespmem:v13+s19+$0x0], $0xffff;
	v11 =	vsel vm5, v8, v19;
	v8 =	vshll.u32 v1, $0x10;
	[tilespmem:s29+$0xFFFFFFF0] =	vst v9  }
0x11c: {  	s30 =	simm.s32 $0x80;
	s31 =	simm.s32 $0xE9C0;
	v9 =	vshll.u32 v11, $0x10;
	[tilespmem:s29+$0x0] =	vst v10;
	v10 =	vsel vm4, v63, v62;
	vm4 =	vmmov vm11;
	v1 =	vld.idx.msk [tilespmem:v20+s19+$0x0], $0xffff  }
.LBB2_8:
0x11d: {  	v12 =	vshrl.u32 v6, $0x10;
	[tilespmem:s29+$0xFFFFFFC0] =	vst v9;
	v9 =	vshll.u32 v10, $0x10  }
0x11e: {  	v11 =	vld [tilespmem:s31+$0x30];
	s30 =	sadd.s32 $0x80, s30;
	vm9 =	vmmov vm6;
	vm5 =	vmmov vm8;
	vm7 =	vmmov vm10  }
0x11f: {  	v13 =	vshrl.u32 v7, $0x10;
	v10 =	vld [tilespmem:s31+$0xFFFFFFD0];
	p1 =	slt.u32 s30, $0x1380;
	v6 =	vsel vm1, v12, v6;
	[tilespmem:s29+$0x10] =	vst v8  }
0x120: {  	v7 =	vsel vm3, v13, v7;
	v12 =	vshrl.u32 v5, $0x10;
	v8 =	vld [tilespmem:s31+$0xFFFFFFE0];
	v6 =	vshll.u32 v6, $0x10;
	[tilespmem:s29+$0x20] =	vst v9;
	s29 =	sadd.s32 $0x80, s29  }
0x121: {  	v7 =	vshll.u32 v7, $0x10;
	v5 =	vsel vm2, v12, v5;
	v12 =	vshrl.u32 v4, $0x10;
	v9 =	vld [tilespmem:s31+$0xFFFFFFF0];
	[tilespmem:s29+$0x30] =	vst v6  }
0x122: {  	v5 =	vshll.u32 v5, $0x10;
	v12 =	vsel vm0, v12, v4;
	v4 =	vshrl.u32 v0, $0x10;
	v6 =	vld [tilespmem:s31+$0x0];
	[tilespmem:s29+$0xFFFFFFD0] =	vst v7  }
0x123: {  	v14 =	vshrl.u32 v1, $0x10;
	v7 =	vld [tilespmem:s31+$0x10];
	vm1 =	vgt.s32 v11, $0xC7FF;
	v13 =	vadd.s32 $0xFFFF3800, v11;
	[tilespmem:s29+$0xFFFFFFE0] =	vst v5  }
0x124: {  	vm3 =	vgt.s32 v10, $0xC7FF;
	v5 =	vadd.s32 $0xFFFF3800, v10;
	v15 =	vld [tilespmem:s31+$0x20];
	v11 =	vsel vm1, v13, v11  }
0x125: {  	v13 =	vld [tilespmem:s31+$0xFFFFFFC0];
	v5 =	vsel vm3, v5, v10;
	vm2 =	vgt.s32 v8, $0xC7FF;
	v10 =	vadd.s32 $0xFFFF3800, v8  }
0x126: {  	v8 =	vsel vm2, v10, v8;
	vm0 =	vgt.s32 v9, $0xC7FF;
	v10 =	vadd.s32 $0xFFFF3800, v9;
	v16 =	vld.idx.msk [tilespmem:v3+s19+$0x0], $0xffff  }
0x127: {  	v9 =	vsel vm0, v10, v9;
	vm11 =	vgt.s32 v6, $0xC7FF;
	v3 =	vadd.s32 $0xFFFF3800, v6;
	v10 =	vld.idx.msk [tilespmem:v2+s19+$0x0], $0xffff  }
0x128: {  	v17 =	vsel vm11, v3, v6;
	vm6 =	vgt.s32 v7, $0xC7FF;
	v2 =	vadd.s32 $0xFFFF3800, v7  }
0x129: {  	v18 =	vsel vm6, v2, v7;
	vm8 =	vgt.s32 v15, $0xC7FF;
	v2 =	vadd.s32 $0xFFFF3800, v15;
	v6 =	vld.idx.msk [tilespmem:v11+s19+$0x0], $0xffff  }
.Ltmp3:
0x12a: {  	vm10 =	vgt.s32 v13, $0xC7FF;
	v3 =	vadd.s32 $0xFFFF3800, v13;
	v7 =	vld.idx.msk [tilespmem:v5+s19+$0x0], $0xffff;
	v2 =	vsel vm8, v2, v15;
	(pc) =	sbr.rel @p1 .LBB2_8-.Ltmp3, $4  }
0x12b: {  	v0 =	vsel vm4, v4, v0;
	v1 =	vsel vm9, v14, v1;
	v3 =	vsel vm10, v3, v13;
	v5 =	vld.idx.msk [tilespmem:v8+s19+$0x0], $0xffff  }
0x12c: {  	v11 =	vshll.u32 v0, $0x10;
	v8 =	vshrl.u32 v16, $0x10;
	v4 =	vld.idx.msk [tilespmem:v9+s19+$0x0], $0xffff;
	v9 =	vshll.u32 v12, $0x10  }
0x12d: {  	v12 =	vsel vm7, v8, v16;
	v8 =	vshll.u32 v1, $0x10;
	v13 =	vshrl.u32 v10, $0x10;
	v0 =	vld.idx.msk [tilespmem:v17+s19+$0x0], $0xffff;
	[tilespmem:s29+$0xFFFFFFF0] =	vst v9  }
0x12e: {  	s31 =	sadd.s32 $0x80, s31;
	vm4 =	vmmov vm11;
	v9 =	vshll.u32 v12, $0x10;
	v10 =	vsel vm5, v13, v10;
	v1 =	vld.idx.msk [tilespmem:v18+s19+$0x0], $0xffff;
	[tilespmem:s29+$0x0] =	vst v11  }
0x12f: {  	_ =	sdelay $0x1  }
0x130: {  	v11 =	vshrl.u32 v6, $0x10  }
0x131: {  	[tilespmem:s29+$0xFFFFFFC0] =	vst v9;
	v9 =	vshll.u32 v10, $0x10;
	vm6 =	vmmov vm6;
	vm5 =	vmmov vm8  }
0x132: {  	v3 =	vld.idx.msk [tilespmem:v3+s19+$0x0], $0xffff;
	vm7 =	vmmov vm10;
	v10 =	vshrl.u32 v7, $0x10;
	[tilespmem:s29+$0x10] =	vst v8;
	v6 =	vsel vm1, v11, v6  }
0x133: {  	v2 =	vld.idx.msk [tilespmem:v2+s19+$0x0], $0xffff;
	v7 =	vsel vm3, v10, v7;
	v8 =	vshrl.u32 v5, $0x10;
	[tilespmem:s29+$0x20] =	vst v9;
	s29 =	sadd.s32 $0x80, s29;
	v6 =	vshll.u32 v6, $0x10  }
0x134: {  	v7 =	vshll.u32 v7, $0x10;
	v5 =	vsel vm2, v8, v5;
	v8 =	vshrl.u32 v4, $0x10;
	[tilespmem:s29+$0x30] =	vst v6  }
0x135: {  	[tilespmem:s29+$0xFFFFFFD0] =	vst v7;
	v5 =	vshll.u32 v5, $0x10;
	v4 =	vsel vm0, v8, v4;
	v6 =	vshrl.u32 v0, $0x10  }
0x136: {  	[tilespmem:s29+$0xFFFFFFE0] =	vst v5;
	v0 =	vsel vm4, v6, v0;
	v4 =	vshll.u32 v4, $0x10;
	v6 =	vshrl.u32 v1, $0x10  }
0x137: {  	v5 =	vshrl.u32 v3, $0x10;
	v0 =	vshll.u32 v0, $0x10;
	[tilespmem:s29+$0xFFFFFFF0] =	vst v4;
	v1 =	vsel vm6, v6, v1  }
0x138: {  	v4 =	vshrl.u32 v2, $0x10;
	v3 =	vsel vm7, v5, v3;
	[tilespmem:s29+$0x0] =	vst v0;
	v0 =	vshll.u32 v1, $0x10  }
0x139: {  	v1 =	vsel vm5, v4, v2;
	v3 =	vshll.u32 v3, $0x10;
	[tilespmem:s29+$0x10] =	vst v0  }
0x13a: {  	v1 =	vshll.u32 v1, $0x10;
	[tilespmem:s29+$0xFFFFFFC0] =	vst v3  }
0x13b: {  	[tilespmem:s29+$0x20] =	vst v1  }
0x13c: {  	[hbm4b:s12+s15] =	stream.strided.scatter [tilespmem:s25], [sflag:$0x5], $0x1400, s16, s15, $0x38;
	[tilespmem:$0x12480] =	vst v63  }
0x13d: {  	_ =	swait.ge [sflag:s22], $0x1400  }
0x13e: {  	[sflag:s22] =	ssyncset.done $0x0  }
0x13f: {  	[sflag:s22] =	ssyncadd.s32 $0xFFFFEC00  }
0x140: {  	_ =	swait.ge [sflag:s26], $0x1400  }
0x141: {  	[sflag:s26] =	ssyncset.done $0x0  }
0x142: {  	s29 =	simm.s32 $0xD4C0;
	[sflag:s26] =	ssyncadd.s32 $0xFFFFEC00  }
0x143: {  	v0 =	vld [tilespmem:s29+$0x30]  }
0x144: {  	v1 =	vld [tilespmem:s29+$0xFFFFFFD0]  }
0x145: {  	v2 =	vld [tilespmem:s29+$0xFFFFFFE0];
	_ =	sdelay $0x1  }
0x146: {  	v3 =	vld [tilespmem:s29+$0xFFFFFFF0]  }
0x147: {  	v4 =	vld [tilespmem:s29+$0x0]  }
0x148: {  	v5 =	vld [tilespmem:s29+$0x10];
	vm2 =	vgt.s32 v0, $0xC7FF;
	v6 =	vadd.s32 $0xFFFF3800, v0  }
0x149: {  	v8 =	vld [tilespmem:s29+$0xFFFFFFC0];
	vm3 =	vgt.s32 v1, $0xC7FF;
	v7 =	vadd.s32 $0xFFFF3800, v1;
	vm1 =	vgt.s32 v2, $0xC7FF  }
0x14a: {  	v0 =	vsel vm2, v6, v0;
	v1 =	vsel vm3, v7, v1;
	v6 =	vadd.s32 $0xFFFF3800, v2;
	v7 =	vld [tilespmem:s29+$0x20];
	s29 =	simm.s32 $0xD540  }
0x14b: {  	vm0 =	vgt.s32 v3, $0xC7FF;
	v2 =	vsel vm1, v6, v2;
	v6 =	vadd.s32 $0xFFFF3800, v3;
	v10 =	vld [tilespmem:s29+$0xFFFFFFD0]  }
0x14c: {  	vm4 =	vgt.s32 v4, $0xC7FF;
	v12 =	vld [tilespmem:s29+$0xFFFFFFF0];
	v3 =	vsel vm0, v6, v3;
	v6 =	vadd.s32 $0xFFFF3800, v4  }
0x14d: {  	vm5 =	vgt.s32 v5, $0xC7FF;
	v13 =	vld [tilespmem:s29+$0x0];
	v4 =	vsel vm4, v6, v4;
	v6 =	vadd.s32 $0xFFFF3800, v5  }
0x14e: {  	v18 =	vld [tilespmem:s29+$0x20];
	v5 =	vsel vm5, v6, v5  }
0x14f: {  	v0 =	vld.idx.msk [tilespmem:v0+s19+$0x0], $0xffff  }
0x150: {  	vm8 =	vgt.s32 v8, $0xC7FF;
	v1 =	vld.idx.msk [tilespmem:v1+s19+$0x0], $0xffff  }
0x151: {  	v9 =	vadd.s32 $0xFFFF3800, v8;
	vm6 =	vgt.s32 v7, $0xC7FF;
	v6 =	vadd.s32 $0xFFFF3800, v7;
	v2 =	vld.idx.msk [tilespmem:v2+s19+$0x0], $0xffff  }
0x152: {  	vm7 =	vmmov vm4;
	v6 =	vsel vm6, v6, v7;
	v7 =	vsel vm8, v9, v8;
	v3 =	vld.idx.msk [tilespmem:v3+s19+$0x0], $0xffff  }
0x153: {  	vm9 =	vmmov vm5;
	vm5 =	vmmov vm8;
	vm4 =	vmmov vm6;
	v8 =	vld.idx.msk [tilespmem:v5+s19+$0x0], $0xffff  }
0x154: {  	v17 =	vadd.s32 $0xFFFF3800, v10;
	v61 =	vadd.s32 $0xFFFF3800, v12;
	vm11 =	vgt.s32 v13, $0xC7FF;
	v5 =	vld [tilespmem:s29+$0x30]  }
0x155: {  	vm8 =	vgt.s32 v18, $0xC7FF;
	v4 =	vld.idx.msk [tilespmem:v4+s19+$0x0], $0xffff;
	v9 =	vshrl.u32 v0, $0x10;
	v11 =	vshrl.u32 v1, $0x10  }
0x156: {  	v0 =	vsel vm2, v9, v0;
	v9 =	vld [tilespmem:s29+$0xFFFFFFE0];
	v1 =	vsel vm3, v11, v1;
	v11 =	vshrl.u32 v2, $0x10  }
0x157: {  	vm3 =	vgt.s32 v10, $0xC7FF;
	v19 =	vld.idx.msk [tilespmem:v7+s19+$0x0], $0xffff;
	v7 =	vadd.s32 $0xFFFF3800, v13;
	v2 =	vsel vm1, v11, v2  }
0x158: {  	v11 =	vshrl.u32 v3, $0x10;
	v10 =	vsel vm3, v17, v10;
	v14 =	vshll.u32 v2, $0x10;
	v2 =	vld [tilespmem:s29+$0x10]  }
0x159: {  	v11 =	vsel vm0, v11, v3;
	vm1 =	vgt.s32 v5, $0xC7FF;
	v3 =	vadd.s32 $0xFFFF3800, v5  }
0x15a: {  	v0 =	vshll.u32 v0, $0x10;
	vm0 =	vgt.s32 v12, $0xC7FF;
	v3 =	vsel vm1, v3, v5;
	v5 =	vld [tilespmem:s29+$0xFFFFFFC0]  }
0x15b: {  	v12 =	vsel vm0, v61, v12;
	vm2 =	vgt.s32 v9, $0xC7FF;
	v60 =	vadd.s32 $0xFFFF3800, v9  }
0x15c: {  	v62 =	vld.idx.msk [tilespmem:v6+s19+$0x0], $0xffff;
	v1 =	vshll.u32 v1, $0x10;
	v13 =	vsel vm11, v7, v13;
	v9 =	vsel vm2, v60, v9  }
0x15d: {  	v15 =	vshrl.u32 v4, $0x10;
	s29 =	simm.s32 $0xFCC0;
	vm6 =	vgt.s32 v2, $0xC7FF;
	v6 =	vadd.s32 $0xFFFF3800, v2  }
0x15e: {  	v16 =	vshrl.u32 v8, $0x10;
	[tilespmem:s29+$0x30] =	vst v0;
	v0 =	vadd.s32 $0xFFFF3800, v18;
	v7 =	vld.idx.msk [tilespmem:v10+s19+$0x0], $0xffff;
	v20 =	vsel vm6, v6, v2  }
0x15f: {  	[tilespmem:s29+$0xFFFFFFD0] =	vst v1;
	v2 =	vsel vm8, v0, v18;
	v6 =	vld.idx.msk [tilespmem:v3+s19+$0x0], $0xffff;
	vm10 =	vgt.s32 v5, $0xC7FF;
	v0 =	vadd.s32 $0xFFFF3800, v5  }
0x160: {  	v1 =	vsel vm9, v16, v8;
	v3 =	vsel vm10, v0, v5;
	v0 =	vsel vm7, v15, v4;
	v4 =	vld.idx.msk [tilespmem:v12+s19+$0x0], $0xffff  }
0x161: {  	[tilespmem:s29+$0xFFFFFFE0] =	vst v14;
	v8 =	vshrl.u32 v19, $0x10;
	v63 =	vshrl.u32 v62, $0x10;
	v5 =	vld.idx.msk [tilespmem:v9+s19+$0x0], $0xffff;
	v9 =	vshll.u32 v11, $0x10  }
0x162: {  	v10 =	vshll.u32 v0, $0x10;
	v0 =	vld.idx.msk [tilespmem:v13+s19+$0x0], $0xffff;
	v11 =	vsel vm5, v8, v19;
	v8 =	vshll.u32 v1, $0x10;
	[tilespmem:s29+$0xFFFFFFF0] =	vst v9  }
0x163: {  	s30 =	simm.s32 $0x80;
	s31 =	simm.s32 $0xD5C0;
	v9 =	vshll.u32 v11, $0x10;
	[tilespmem:s29+$0x0] =	vst v10;
	v10 =	vsel vm4, v63, v62;
	vm4 =	vmmov vm11;
	v1 =	vld.idx.msk [tilespmem:v20+s19+$0x0], $0xffff  }
.LBB2_10:
0x164: {  	v12 =	vshrl.u32 v6, $0x10;
	[tilespmem:s29+$0xFFFFFFC0] =	vst v9;
	v9 =	vshll.u32 v10, $0x10  }
0x165: {  	v11 =	vld [tilespmem:s31+$0x30];
	s30 =	sadd.s32 $0x80, s30;
	vm9 =	vmmov vm6;
	vm5 =	vmmov vm8;
	vm7 =	vmmov vm10  }
0x166: {  	v13 =	vshrl.u32 v7, $0x10;
	v10 =	vld [tilespmem:s31+$0xFFFFFFD0];
	p1 =	slt.u32 s30, $0x1380;
	v6 =	vsel vm1, v12, v6;
	[tilespmem:s29+$0x10] =	vst v8  }
0x167: {  	v7 =	vsel vm3, v13, v7;
	v12 =	vshrl.u32 v5, $0x10;
	v8 =	vld [tilespmem:s31+$0xFFFFFFE0];
	v6 =	vshll.u32 v6, $0x10;
	[tilespmem:s29+$0x20] =	vst v9;
	s29 =	sadd.s32 $0x80, s29  }
0x168: {  	v7 =	vshll.u32 v7, $0x10;
	v5 =	vsel vm2, v12, v5;
	v12 =	vshrl.u32 v4, $0x10;
	v9 =	vld [tilespmem:s31+$0xFFFFFFF0];
	[tilespmem:s29+$0x30] =	vst v6  }
0x169: {  	v5 =	vshll.u32 v5, $0x10;
	v12 =	vsel vm0, v12, v4;
	v4 =	vshrl.u32 v0, $0x10;
	v6 =	vld [tilespmem:s31+$0x0];
	[tilespmem:s29+$0xFFFFFFD0] =	vst v7  }
0x16a: {  	v14 =	vshrl.u32 v1, $0x10;
	v7 =	vld [tilespmem:s31+$0x10];
	vm1 =	vgt.s32 v11, $0xC7FF;
	v13 =	vadd.s32 $0xFFFF3800, v11;
	[tilespmem:s29+$0xFFFFFFE0] =	vst v5  }
0x16b: {  	vm3 =	vgt.s32 v10, $0xC7FF;
	v5 =	vadd.s32 $0xFFFF3800, v10;
	v15 =	vld [tilespmem:s31+$0x20];
	v11 =	vsel vm1, v13, v11  }
0x16c: {  	v13 =	vld [tilespmem:s31+$0xFFFFFFC0];
	v5 =	vsel vm3, v5, v10;
	vm2 =	vgt.s32 v8, $0xC7FF;
	v10 =	vadd.s32 $0xFFFF3800, v8  }
0x16d: {  	v8 =	vsel vm2, v10, v8;
	vm0 =	vgt.s32 v9, $0xC7FF;
	v10 =	vadd.s32 $0xFFFF3800, v9;
	v16 =	vld.idx.msk [tilespmem:v3+s19+$0x0], $0xffff  }
0x16e: {  	v9 =	vsel vm0, v10, v9;
	vm11 =	vgt.s32 v6, $0xC7FF;
	v3 =	vadd.s32 $0xFFFF3800, v6;
	v10 =	vld.idx.msk [tilespmem:v2+s19+$0x0], $0xffff  }
0x16f: {  	v17 =	vsel vm11, v3, v6;
	vm6 =	vgt.s32 v7, $0xC7FF;
	v2 =	vadd.s32 $0xFFFF3800, v7  }
0x170: {  	v18 =	vsel vm6, v2, v7;
	vm8 =	vgt.s32 v15, $0xC7FF;
	v2 =	vadd.s32 $0xFFFF3800, v15;
	v6 =	vld.idx.msk [tilespmem:v11+s19+$0x0], $0xffff  }
.Ltmp4:
0x171: {  	vm10 =	vgt.s32 v13, $0xC7FF;
	v3 =	vadd.s32 $0xFFFF3800, v13;
	v7 =	vld.idx.msk [tilespmem:v5+s19+$0x0], $0xffff;
	v2 =	vsel vm8, v2, v15;
	(pc) =	sbr.rel @p1 .LBB2_10-.Ltmp4, $4  }
0x172: {  	v0 =	vsel vm4, v4, v0;
	v1 =	vsel vm9, v14, v1;
	v3 =	vsel vm10, v3, v13;
	v5 =	vld.idx.msk [tilespmem:v8+s19+$0x0], $0xffff  }
0x173: {  	v11 =	vshll.u32 v0, $0x10;
	v8 =	vshrl.u32 v16, $0x10;
	v4 =	vld.idx.msk [tilespmem:v9+s19+$0x0], $0xffff;
	v9 =	vshll.u32 v12, $0x10  }
0x174: {  	v12 =	vsel vm7, v8, v16;
	v8 =	vshll.u32 v1, $0x10;
	v13 =	vshrl.u32 v10, $0x10;
	v0 =	vld.idx.msk [tilespmem:v17+s19+$0x0], $0xffff;
	[tilespmem:s29+$0xFFFFFFF0] =	vst v9  }
0x175: {  	s31 =	sadd.s32 $0x80, s31;
	vm4 =	vmmov vm11;
	v9 =	vshll.u32 v12, $0x10;
	v10 =	vsel vm5, v13, v10;
	v1 =	vld.idx.msk [tilespmem:v18+s19+$0x0], $0xffff;
	[tilespmem:s29+$0x0] =	vst v11  }
0x176: {  	_ =	sdelay $0x1  }
0x177: {  	v11 =	vshrl.u32 v6, $0x10  }
0x178: {  	[tilespmem:s29+$0xFFFFFFC0] =	vst v9;
	v54 =	vshll.u32 v10, $0x10;
	vm6 =	vmmov vm6;
	vm5 =	vmmov vm8  }
0x179: {  	v3 =	vld.idx.msk [tilespmem:v3+s19+$0x0], $0xffff;
	vm7 =	vmmov vm10;
	v55 =	vshrl.u32 v7, $0x10;
	[tilespmem:s29+$0x10] =	vst v8;
	v6 =	vsel vm1, v11, v6  }
0x17a: {  	s31 =	sadd.s32 $0x80, s29;
	v2 =	vld.idx.msk [tilespmem:v2+s19+$0x0], $0xffff;
	v7 =	vsel vm3, v55, v7;
	v56 =	vshrl.u32 v5, $0x10;
	[tilespmem:s29+$0x20] =	vst v54;
	v6 =	vshll.u32 v6, $0x10  }
0x17b: {  	v7 =	vshll.u32 v7, $0x10;
	v5 =	vsel vm2, v56, v5;
	v57 =	vshrl.u32 v4, $0x10;
	[tilespmem:s31+$0x30] =	vst v6  }
0x17c: {  	[tilespmem:s31+$0xFFFFFFD0] =	vst v7;
	v5 =	vshll.u32 v5, $0x10;
	v4 =	vsel vm0, v57, v4;
	v58 =	vshrl.u32 v0, $0x10  }
0x17d: {  	[tilespmem:s31+$0xFFFFFFE0] =	vst v5;
	v0 =	vsel vm4, v58, v0;
	v4 =	vshll.u32 v4, $0x10;
	v60 =	vshrl.u32 v1, $0x10  }
0x17e: {  	v59 =	vshrl.u32 v3, $0x10;
	v0 =	vshll.u32 v0, $0x10;
	[tilespmem:s31+$0xFFFFFFF0] =	vst v4;
	v1 =	vsel vm6, v60, v1  }
0x17f: {  	v61 =	vshrl.u32 v2, $0x10;
	v3 =	vsel vm7, v59, v3;
	[tilespmem:s31+$0x0] =	vst v0;
	v62 =	vshll.u32 v1, $0x10  }
0x180: {  	v63 =	vsel vm5, v61, v2;
	v3 =	vshll.u32 v3, $0x10;
	[tilespmem:s31+$0x10] =	vst v62  }
0x181: {  	v1 =	vshll.u32 v63, $0x10;
	[tilespmem:s31+$0xFFFFFFC0] =	vst v3  }
0x182: {  	s2 =	sadd.s32 $0x1, s2;
	[tilespmem:s31+$0x20] =	vst v1  }
0x183: {  	[hbm4b:s13+s15] =	stream.strided.scatter [tilespmem:s23], [sflag:$0x4], $0x1400, s16, s15, $0x38;
	[tilespmem:$0x12480] =	vst v63  }
0x184: {  	p1 =	sne.s32 s2, s14;
	_ =	swait.ge [sflag:s28], $0x1400  }
.Ltmp5:
0x185: {  	[sflag:s28] =	ssyncset.done $0x0;
	(pc) =	sbr.rel @p1 .LBB2_1-.Ltmp5, $4  }
0x186: {  	[sflag:s28] =	ssyncadd.s32 $0xFFFFEC00  }
0x187: {  	_ =	swait.ge [sflag:s26], $0x1400  }
0x188: {  	[sflag:s26] =	ssyncset.done $0x0  }
0x189: {  	[sflag:s26] =	ssyncadd.s32 $0xFFFFEC00  }
0x18a: {  	_ =	sfence.sel $0x180000  }
0x18b: {  	[bflag:$0x0] =	sbarrier.arrive $0xFFFF  }
0x18c: {  	_ =	strace $0x90000047  }
0x18d: {  	s0 =	sadd.s32 @!p0 $0x100000, s0;
	[bflag:$0x2] =	sbarrier.arrive $0xFFFF  }
0x18e: {  	[sflag:s0] =	ssyncadd.tile.s32 @!p0 $0x1;
	_ =	shalt  }
.Lfunc_end2:
_tile_overlayer_lowered:
.L_overlay_start_2:
0x18f: {  	(tag) =	ssettag $0x2  }
0x190: {  	s0 =	rddreg [dreg:$0x0];
	s2 =	stileid.u32  }
0x191: {  	s1 =	rddreg [dreg:$0x1];
	p0 =	sne.s32 s2, $0x0  }
0x192: {  	s3 =	rddreg [dreg:$0x2];
	[bflag:$0x3] =	sbarrier.arrive $0xFFFF;
	s2 =	simm.s32 @!p0 $0x1C06  }
0x193: {  	[timem:s3], [sflag:s2] =	dma.local @!p0 [hbm:s0], s1  }
0x194: {  	s0 =	simm.s32 @!p0 $0x6  }
0x195: {  	_ =	swait.ge @!p0 [sflag:s0], s1  }
0x196: {  	s1 =	ssub.s32 @!p0 $0x0, s1;
	[sflag:s0] =	ssyncset.done @!p0 $0x0  }
0x197: {  	[sflag:s0] =	ssyncadd.s32 @!p0 s1  }
0x198: {  	[bflag:$0x3] =	sbarrier.arrive $0xFFFF  }
0x199: {  	_ =	shalt  }

</sc_bundles>
